<compile_context>
chip_gen: v7x
topology: tpu7x:2x2x1
jax: 0.10.2.dev20260603
libtpu: 0.0.44.dev20260713+nightly
codegen_flags: <defaults>
</compile_context>

<pallas_src>
import jax
import jax.numpy as jnp
from jax import lax
from jax.experimental import pallas as pl
from jax.experimental.pallas import tpu as pltpu
from jax.experimental.pallas import tpu_sc as plsc

EMB_DIM = 1000
BATCH = 16384

NUM_CORES = 2
NUM_SUBCORES = 16
LANES = 16
NUM_WORKERS = NUM_CORES * NUM_SUBCORES

COLS_PER_TILE = BATCH // NUM_WORKERS
BLOCK_COLS = 128
NUM_BLOCKS = COLS_PER_TILE // BLOCK_COLS
BLOCK_GROUPS = BLOCK_COLS // LANES
CHUNK_C = 200
NUM_SLICES = EMB_DIM // CHUNK_C
NUM_CHUNKS = NUM_BLOCKS * NUM_SLICES
DIV200_MUL = 328
DIV200_SHIFT = 16


def _scatter_phase(buf, qv, cmv, b, h, value):
  lane_iota = lax.broadcasted_iota(jnp.int32, (LANES,), 0)
  vals = jnp.full((LANES,), value, jnp.float32)
  base = b * (BLOCK_GROUPS * LANES)
  for j in range(BLOCK_GROUPS):
    q = qv[pl.ds(base + j * LANES, LANES)]
    cm = cmv[pl.ds(base + j * LANES, LANES)]
    col_idx = j * LANES + lane_iota
    plsc.store_scatter(buf, [cm, col_idx], vals, mask=(q == h))


def _one_hot_body(labels_hbm, out_hbm, labels_v, qv, cmv, buf0, buf1,
                  sem0, sem1, lsem):
  wid = lax.axis_index("s") * NUM_CORES + lax.axis_index("c")
  col_base = wid * COLS_PER_TILE

  labels_copy = pltpu.async_copy(
      labels_hbm.at[pl.ds(col_base, COLS_PER_TILE)], labels_v, lsem)

  bufs = (buf0, buf1)
  sems = (sem0, sem1)
  zeros16 = jnp.zeros((LANES,), jnp.float32)

  def zero_buf(buf):
    def zrow(r, _):
      for c in range(BLOCK_COLS // LANES):
        buf[r, pl.ds(c * LANES, LANES)] = zeros16
      return 0
    lax.fori_loop(0, CHUNK_C, zrow, 0)

  zero_buf(buf0)
  labels_copy.wait()

  for g in range(COLS_PER_TILE // LANES):
    lbl = labels_v[pl.ds(g * LANES, LANES)]
    q = jax.lax.shift_right_logical(lbl * DIV200_MUL, DIV200_SHIFT)
    qv[pl.ds(g * LANES, LANES)] = q
    cmv[pl.ds(g * LANES, LANES)] = lbl - q * CHUNK_C

  def dst_slice(b, h):
    return out_hbm.at[pl.ds(h * CHUNK_C, CHUNK_C),
                      pl.ds(col_base + b * BLOCK_COLS, BLOCK_COLS)]

  def start_dma(slot, b, h):
    return pltpu.async_copy(bufs[slot], dst_slice(b, h), sems[slot])

  def wait_dma(slot, b, h):
    pltpu.make_async_copy(bufs[slot], dst_slice(b, h), sems[slot]).wait()

  _scatter_phase(buf0, qv, cmv, 0, 0, 1.0)
  start_dma(0, 0, 0)
  zero_buf(buf1)
  _scatter_phase(buf1, qv, cmv, 0, 1, 1.0)
  start_dma(1, 0, 1)

  def body(i, _):
    for slot in (0, 1):
      t = 2 + 2 * i + slot
      b, h = t // NUM_SLICES, t % NUM_SLICES
      pb, ph = (t - 2) // NUM_SLICES, (t - 2) % NUM_SLICES
      wait_dma(slot, pb, ph)
      _scatter_phase(bufs[slot], qv, cmv, pb, ph, 0.0)
      _scatter_phase(bufs[slot], qv, cmv, b, h, 1.0)
      start_dma(slot, b, h)
    return 0
  lax.fori_loop(0, (NUM_CHUNKS - 2) // 2, body, 0)

  last = NUM_CHUNKS - 1
  wait_dma(0, (last - 1) // NUM_SLICES, (last - 1) % NUM_SLICES)
  wait_dma(1, last // NUM_SLICES, last % NUM_SLICES)


@jax.jit
def kernel(labels):
  mesh = plsc.VectorSubcoreMesh(
      core_axis_name="c", subcore_axis_name="s",
      num_cores=NUM_CORES, num_subcores=NUM_SUBCORES)
  out_t = pl.kernel(
      _one_hot_body,
      out_type=jax.ShapeDtypeStruct((EMB_DIM, BATCH), jnp.float32),
      mesh=mesh,
      scratch_types=[
          pltpu.VMEM((COLS_PER_TILE,), jnp.int32),
          pltpu.VMEM((COLS_PER_TILE,), jnp.int32),
          pltpu.VMEM((COLS_PER_TILE,), jnp.int32),
          pltpu.VMEM((CHUNK_C, BLOCK_COLS), jnp.float32),
          pltpu.VMEM((CHUNK_C, BLOCK_COLS), jnp.float32),
          pltpu.SemaphoreType.DMA,
          pltpu.SemaphoreType.DMA,
          pltpu.SemaphoreType.DMA,
      ],
      compiler_params=pltpu.CompilerParams(
          needs_layout_passes=False, use_tc_tiling_on_sc=True),
  )(labels.astype(jnp.int32))
  return out_t.T

# --- scband reference (transcript-rebuilt; emitter-appended) ---
"""Pipeline reference for scband-ideal-one-hot-model-18708877541889 (READ-ONLY COPY).

The authoritative reference and input builder live on the scoring server;
editing this copy changes nothing except your own understanding.
"""

import jax, jax.numpy as jnp
import numpy as np

EMB_DIM = 1000
SHIFT = 0
BATCH = 16384

def setup_inputs(seed: int = 0) -> dict:
    key = jax.random.key(seed)
    labels = jax.random.randint(key, (BATCH,), 0, EMB_DIM, dtype=jnp.int64 if jax.config.jax_enable_x64 else jnp.int32)
    return {"labels": labels}

def reference(labels):
    # Faithful translation: torch.stack([one_hot(label + shift, emb_dim) for label in labels])
    # is equivalent to a vectorized one-hot over the batch dimension.
    shifted = labels + SHIFT
    embeddings = jax.nn.one_hot(shifted, EMB_DIM, dtype=jnp.float32)
    return embeddings

if __name__ == "__main__":
    import jax
    _d = setup_inputs()
    print(jax.jit(kernel)(*tuple(_d.values())))

</pallas_src>

<mosaic_0001>
#map = affine_map<(d0, d1) -> (0)>
#map1 = affine_map<(d0, d1) -> (0, 0)>
module attributes {stable_mosaic.version = 14 : i64} {
  func.func @_one_hot_body(%arg0: i32, %arg1: i32, %arg2: memref<16384xi32, #tpu.memory_space<hbm>>, %arg3: memref<1000x16384xf32, #tpu.memory_space<hbm>>, %arg4: memref<512xi32, #tpu.memory_space<vmem>>, %arg5: memref<512xi32, #tpu.memory_space<vmem>>, %arg6: memref<512xi32, #tpu.memory_space<vmem>>, %arg7: memref<200x128xf32, #tpu.memory_space<vmem>>, %arg8: memref<200x128xf32, #tpu.memory_space<vmem>>, %arg9: memref<!tpu.dma_semaphore, #tpu.memory_space<semaphore_mem>>, %arg10: memref<!tpu.dma_semaphore, #tpu.memory_space<semaphore_mem>>, %arg11: memref<!tpu.dma_semaphore, #tpu.memory_space<semaphore_mem>>) attributes {dimension_semantics = [#tpu.dimension_semantics<core_parallel>, #tpu.dimension_semantics<subcore_parallel>], iteration_bounds = array<i64: 2, 16>, scalar_prefetch = 0 : i64, scratch_operands = 8 : i64, tpu.core_type = #tpu.core_type<sc_vector_subcore>, window_params = [{transform_indices = #map}, {transform_indices = #map1}]} {
    %mul3A = arith.constant 2 : i32
    %mul3A_0 = arith.muli %arg1, %mul3A : i32
    %add3A = arith.addi %mul3A_0, %arg0 : i32
    %mul3A_1 = arith.constant 512 : i32
    %mul3A_2 = arith.muli %add3A, %mul3A_1 : i32
    %dma_start3A = tpu.memref_slice %arg2[%mul3A_2] : memref<16384xi32, #tpu.memory_space<hbm>> -> memref<512xi32, #tpu.memory_space<hbm>>
    %dma_start3A_3 = tpu.memref_slice %arg2[%mul3A_2] : memref<16384xi32, #tpu.memory_space<hbm>> -> memref<512xi32, #tpu.memory_space<hbm>>
    tpu.enqueue_dma source(%dma_start3A_3 : memref<512xi32, #tpu.memory_space<hbm>>) target(%arg4 : memref<512xi32, #tpu.memory_space<vmem>>) target_semaphore(%arg11 : memref<!tpu.dma_semaphore, #tpu.memory_space<semaphore_mem>>)
    %broadcast_in_dim3A = arith.constant 0.000000e+00 : f32
    %broadcast_in_dim3A_4 = vector.broadcast %broadcast_in_dim3A : f32 to vector<16xf32>
    %scan3A = arith.constant 0 : i32
    %scan3A_5 = arith.constant 0 : i32
    %scan3A_6 = arith.constant 200 : i32
    %scan3A_7 = arith.addi %scan3A_5, %scan3A_6 : i32
    %scan3A_8 = arith.constant 1 : i32
    %scan3A_9 = scf.for %scan3A_722 = %scan3A_5 to %scan3A_7 step %scan3A_8 iter_args(%scan3A_723 = %scan3A) -> (i32)  : i32 {
      %swap3A_724 = arith.index_cast %scan3A_722 : i32 to index
      %swap3A_725 = arith.constant 0 : index
      %swap3A_726 = tpu.vector_load %arg7[%swap3A_724, %swap3A_725] {strides = array<i32>} : memref<200x128xf32, #tpu.memory_space<vmem>>, vector<16xf32>,
      tpu.vector_store %arg7[%swap3A_724, %swap3A_725], %broadcast_in_dim3A_4 {strides = array<i32>} : memref<200x128xf32, #tpu.memory_space<vmem>>, vector<16xf32>,
      %swap3A_727 = arith.index_cast %scan3A_722 : i32 to index
      %swap3A_728 = arith.constant 16 : index
      %swap3A_729 = tpu.vector_load %arg7[%swap3A_727, %swap3A_728] {strides = array<i32>} : memref<200x128xf32, #tpu.memory_space<vmem>>, vector<16xf32>,
      tpu.vector_store %arg7[%swap3A_727, %swap3A_728], %broadcast_in_dim3A_4 {strides = array<i32>} : memref<200x128xf32, #tpu.memory_space<vmem>>, vector<16xf32>,
      %swap3A_730 = arith.index_cast %scan3A_722 : i32 to index
      %swap3A_731 = arith.constant 32 : index
      %swap3A_732 = tpu.vector_load %arg7[%swap3A_730, %swap3A_731] {strides = array<i32>} : memref<200x128xf32, #tpu.memory_space<vmem>>, vector<16xf32>,
      tpu.vector_store %arg7[%swap3A_730, %swap3A_731], %broadcast_in_dim3A_4 {strides = array<i32>} : memref<200x128xf32, #tpu.memory_space<vmem>>, vector<16xf32>,
      %swap3A_733 = arith.index_cast %scan3A_722 : i32 to index
      %swap3A_734 = arith.constant 48 : index
      %swap3A_735 = tpu.vector_load %arg7[%swap3A_733, %swap3A_734] {strides = array<i32>} : memref<200x128xf32, #tpu.memory_space<vmem>>, vector<16xf32>,
      tpu.vector_store %arg7[%swap3A_733, %swap3A_734], %broadcast_in_dim3A_4 {strides = array<i32>} : memref<200x128xf32, #tpu.memory_space<vmem>>, vector<16xf32>,
      %swap3A_736 = arith.index_cast %scan3A_722 : i32 to index
      %swap3A_737 = arith.constant 64 : index
      %swap3A_738 = tpu.vector_load %arg7[%swap3A_736, %swap3A_737] {strides = array<i32>} : memref<200x128xf32, #tpu.memory_space<vmem>>, vector<16xf32>,
      tpu.vector_store %arg7[%swap3A_736, %swap3A_737], %broadcast_in_dim3A_4 {strides = array<i32>} : memref<200x128xf32, #tpu.memory_space<vmem>>, vector<16xf32>,
      %swap3A_739 = arith.index_cast %scan3A_722 : i32 to index
      %swap3A_740 = arith.constant 80 : index
      %swap3A_741 = tpu.vector_load %arg7[%swap3A_739, %swap3A_740] {strides = array<i32>} : memref<200x128xf32, #tpu.memory_space<vmem>>, vector<16xf32>,
      tpu.vector_store %arg7[%swap3A_739, %swap3A_740], %broadcast_in_dim3A_4 {strides = array<i32>} : memref<200x128xf32, #tpu.memory_space<vmem>>, vector<16xf32>,
      %swap3A_742 = arith.index_cast %scan3A_722 : i32 to index
      %swap3A_743 = arith.constant 96 : index
      %swap3A_744 = tpu.vector_load %arg7[%swap3A_742, %swap3A_743] {strides = array<i32>} : memref<200x128xf32, #tpu.memory_space<vmem>>, vector<16xf32>,
      tpu.vector_store %arg7[%swap3A_742, %swap3A_743], %broadcast_in_dim3A_4 {strides = array<i32>} : memref<200x128xf32, #tpu.memory_space<vmem>>, vector<16xf32>,
      %swap3A_745 = arith.index_cast %scan3A_722 : i32 to index
      %swap3A_746 = arith.constant 112 : index
      %swap3A_747 = tpu.vector_load %arg7[%swap3A_745, %swap3A_746] {strides = array<i32>} : memref<200x128xf32, #tpu.memory_space<vmem>>, vector<16xf32>,
      tpu.vector_store %arg7[%swap3A_745, %swap3A_746], %broadcast_in_dim3A_4 {strides = array<i32>} : memref<200x128xf32, #tpu.memory_space<vmem>>, vector<16xf32>,
      %scan3A_748 = arith.constant 0 : i32
      scf.yield %scan3A_748 : i32
    }
    %scan3A_10 = arith.constant 200 : i32
    %dma_wait3A = tpu.memref_slice %arg2[%mul3A_2] : memref<16384xi32, #tpu.memory_space<hbm>> -> memref<512xi32, #tpu.memory_space<hbm>>
    %dma_wait3A_11 = tpu.memref_slice %arg2[%mul3A_2] : memref<16384xi32, #tpu.memory_space<hbm>> -> memref<512xi32, #tpu.memory_space<hbm>>
    tpu.wait_dma2 semaphore(%arg11 : memref<!tpu.dma_semaphore, #tpu.memory_space<semaphore_mem>>) src(%dma_wait3A_11 : memref<512xi32, #tpu.memory_space<hbm>>) dst(%arg4 : memref<512xi32, #tpu.memory_space<vmem>>)
    %get3A = arith.constant 0 : index
    %get3A_12 = tpu.vector_load %arg4[%get3A] {strides = array<i32>} : memref<512xi32, #tpu.memory_space<vmem>>, vector<16xi32>,
    %mul3A_13 = arith.constant 328 : i32
    %mul3A_14 = vector.broadcast %mul3A_13 : i32 to vector<16xi32>
    %mul3A_15 = arith.muli %get3A_12, %mul3A_14 : vector<16xi32>
    %shift_right_logical3A = arith.constant 16 : i32
    %shift_right_logical3A_16 = vector.broadcast %shift_right_logical3A : i32 to vector<16xi32>
    %shift_right_logical3A_17 = arith.shrui %mul3A_15, %shift_right_logical3A_16 : vector<16xi32>
    %swap3A = arith.constant 0 : index
    %swap3A_18 = tpu.vector_load %arg5[%swap3A] {strides = array<i32>} : memref<512xi32, #tpu.memory_space<vmem>>, vector<16xi32>,
    tpu.vector_store %arg5[%swap3A], %shift_right_logical3A_17 {strides = array<i32>} : memref<512xi32, #tpu.memory_space<vmem>>, vector<16xi32>,
    %mul3A_19 = arith.constant 200 : i32
    %mul3A_20 = vector.broadcast %mul3A_19 : i32 to vector<16xi32>
    %mul3A_21 = arith.muli %shift_right_logical3A_17, %mul3A_20 : vector<16xi32>
    %sub3A = arith.subi %get3A_12, %mul3A_21 : vector<16xi32>
    %swap3A_22 = arith.constant 0 : index
    %swap3A_23 = tpu.vector_load %arg6[%swap3A_22] {strides = array<i32>} : memref<512xi32, #tpu.memory_space<vmem>>, vector<16xi32>,
    tpu.vector_store %arg6[%swap3A_22], %sub3A {strides = array<i32>} : memref<512xi32, #tpu.memory_space<vmem>>, vector<16xi32>,
    %get3A_24 = arith.constant 16 : index
    %get3A_25 = tpu.vector_load %arg4[%get3A_24] {strides = array<i32>} : memref<512xi32, #tpu.memory_space<vmem>>, vector<16xi32>,
    %mul3A_26 = arith.constant 328 : i32
    %mul3A_27 = vector.broadcast %mul3A_26 : i32 to vector<16xi32>
    %mul3A_28 = arith.muli %get3A_25, %mul3A_27 : vector<16xi32>
    %shift_right_logical3A_29 = arith.constant 16 : i32
    %shift_right_logical3A_30 = vector.broadcast %shift_right_logical3A_29 : i32 to vector<16xi32>
    %shift_right_logical3A_31 = arith.shrui %mul3A_28, %shift_right_logical3A_30 : vector<16xi32>
    %swap3A_32 = arith.constant 16 : index
    %swap3A_33 = tpu.vector_load %arg5[%swap3A_32] {strides = array<i32>} : memref<512xi32, #tpu.memory_space<vmem>>, vector<16xi32>,
    tpu.vector_store %arg5[%swap3A_32], %shift_right_logical3A_31 {strides = array<i32>} : memref<512xi32, #tpu.memory_space<vmem>>, vector<16xi32>,
    %mul3A_34 = arith.constant 200 : i32
    %mul3A_35 = vector.broadcast %mul3A_34 : i32 to vector<16xi32>
    %mul3A_36 = arith.muli %shift_right_logical3A_31, %mul3A_35 : vector<16xi32>
    %sub3A_37 = arith.subi %get3A_25, %mul3A_36 : vector<16xi32>
    %swap3A_38 = arith.constant 16 : index
    %swap3A_39 = tpu.vector_load %arg6[%swap3A_38] {strides = array<i32>} : memref<512xi32, #tpu.memory_space<vmem>>, vector<16xi32>,
    tpu.vector_store %arg6[%swap3A_38], %sub3A_37 {strides = array<i32>} : memref<512xi32, #tpu.memory_space<vmem>>, vector<16xi32>,
    %get3A_40 = arith.constant 32 : index
    %get3A_41 = tpu.vector_load %arg4[%get3A_40] {strides = array<i32>} : memref<512xi32, #tpu.memory_space<vmem>>, vector<16xi32>,
    %mul3A_42 = arith.constant 328 : i32
    %mul3A_43 = vector.broadcast %mul3A_42 : i32 to vector<16xi32>
    %mul3A_44 = arith.muli %get3A_41, %mul3A_43 : vector<16xi32>
    %shift_right_logical3A_45 = arith.constant 16 : i32
    %shift_right_logical3A_46 = vector.broadcast %shift_right_logical3A_45 : i32 to vector<16xi32>
    %shift_right_logical3A_47 = arith.shrui %mul3A_44, %shift_right_logical3A_46 : vector<16xi32>
    %swap3A_48 = arith.constant 32 : index
    %swap3A_49 = tpu.vector_load %arg5[%swap3A_48] {strides = array<i32>} : memref<512xi32, #tpu.memory_space<vmem>>, vector<16xi32>,
    tpu.vector_store %arg5[%swap3A_48], %shift_right_logical3A_47 {strides = array<i32>} : memref<512xi32, #tpu.memory_space<vmem>>, vector<16xi32>,
    %mul3A_50 = arith.constant 200 : i32
    %mul3A_51 = vector.broadcast %mul3A_50 : i32 to vector<16xi32>
    %mul3A_52 = arith.muli %shift_right_logical3A_47, %mul3A_51 : vector<16xi32>
    %sub3A_53 = arith.subi %get3A_41, %mul3A_52 : vector<16xi32>
    %swap3A_54 = arith.constant 32 : index
    %swap3A_55 = tpu.vector_load %arg6[%swap3A_54] {strides = array<i32>} : memref<512xi32, #tpu.memory_space<vmem>>, vector<16xi32>,
    tpu.vector_store %arg6[%swap3A_54], %sub3A_53 {strides = array<i32>} : memref<512xi32, #tpu.memory_space<vmem>>, vector<16xi32>,
    %get3A_56 = arith.constant 48 : index
    %get3A_57 = tpu.vector_load %arg4[%get3A_56] {strides = array<i32>} : memref<512xi32, #tpu.memory_space<vmem>>, vector<16xi32>,
    %mul3A_58 = arith.constant 328 : i32
    %mul3A_59 = vector.broadcast %mul3A_58 : i32 to vector<16xi32>
    %mul3A_60 = arith.muli %get3A_57, %mul3A_59 : vector<16xi32>
    %shift_right_logical3A_61 = arith.constant 16 : i32
    %shift_right_logical3A_62 = vector.broadcast %shift_right_logical3A_61 : i32 to vector<16xi32>
    %shift_right_logical3A_63 = arith.shrui %mul3A_60, %shift_right_logical3A_62 : vector<16xi32>
    %swap3A_64 = arith.constant 48 : index
    %swap3A_65 = tpu.vector_load %arg5[%swap3A_64] {strides = array<i32>} : memref<512xi32, #tpu.memory_space<vmem>>, vector<16xi32>,
    tpu.vector_store %arg5[%swap3A_64], %shift_right_logical3A_63 {strides = array<i32>} : memref<512xi32, #tpu.memory_space<vmem>>, vector<16xi32>,
    %mul3A_66 = arith.constant 200 : i32
    %mul3A_67 = vector.broadcast %mul3A_66 : i32 to vector<16xi32>
    %mul3A_68 = arith.muli %shift_right_logical3A_63, %mul3A_67 : vector<16xi32>
    %sub3A_69 = arith.subi %get3A_57, %mul3A_68 : vector<16xi32>
    %swap3A_70 = arith.constant 48 : index
    %swap3A_71 = tpu.vector_load %arg6[%swap3A_70] {strides = array<i32>} : memref<512xi32, #tpu.memory_space<vmem>>, vector<16xi32>,
    tpu.vector_store %arg6[%swap3A_70], %sub3A_69 {strides = array<i32>} : memref<512xi32, #tpu.memory_space<vmem>>, vector<16xi32>,
    %get3A_72 = arith.constant 64 : index
    %get3A_73 = tpu.vector_load %arg4[%get3A_72] {strides = array<i32>} : memref<512xi32, #tpu.memory_space<vmem>>, vector<16xi32>,
    %mul3A_74 = arith.constant 328 : i32
    %mul3A_75 = vector.broadcast %mul3A_74 : i32 to vector<16xi32>
    %mul3A_76 = arith.muli %get3A_73, %mul3A_75 : vector<16xi32>
    %shift_right_logical3A_77 = arith.constant 16 : i32
    %shift_right_logical3A_78 = vector.broadcast %shift_right_logical3A_77 : i32 to vector<16xi32>
    %shift_right_logical3A_79 = arith.shrui %mul3A_76, %shift_right_logical3A_78 : vector<16xi32>
    %swap3A_80 = arith.constant 64 : index
    %swap3A_81 = tpu.vector_load %arg5[%swap3A_80] {strides = array<i32>} : memref<512xi32, #tpu.memory_space<vmem>>, vector<16xi32>,
    tpu.vector_store %arg5[%swap3A_80], %shift_right_logical3A_79 {strides = array<i32>} : memref<512xi32, #tpu.memory_space<vmem>>, vector<16xi32>,
    %mul3A_82 = arith.constant 200 : i32
    %mul3A_83 = vector.broadcast %mul3A_82 : i32 to vector<16xi32>
    %mul3A_84 = arith.muli %shift_right_logical3A_79, %mul3A_83 : vector<16xi32>
    %sub3A_85 = arith.subi %get3A_73, %mul3A_84 : vector<16xi32>
    %swap3A_86 = arith.constant 64 : index
    %swap3A_87 = tpu.vector_load %arg6[%swap3A_86] {strides = array<i32>} : memref<512xi32, #tpu.memory_space<vmem>>, vector<16xi32>,
    tpu.vector_store %arg6[%swap3A_86], %sub3A_85 {strides = array<i32>} : memref<512xi32, #tpu.memory_space<vmem>>, vector<16xi32>,
    %get3A_88 = arith.constant 80 : index
    %get3A_89 = tpu.vector_load %arg4[%get3A_88] {strides = array<i32>} : memref<512xi32, #tpu.memory_space<vmem>>, vector<16xi32>,
    %mul3A_90 = arith.constant 328 : i32
    %mul3A_91 = vector.broadcast %mul3A_90 : i32 to vector<16xi32>
    %mul3A_92 = arith.muli %get3A_89, %mul3A_91 : vector<16xi32>
    %shift_right_logical3A_93 = arith.constant 16 : i32
    %shift_right_logical3A_94 = vector.broadcast %shift_right_logical3A_93 : i32 to vector<16xi32>
    %shift_right_logical3A_95 = arith.shrui %mul3A_92, %shift_right_logical3A_94 : vector<16xi32>
    %swap3A_96 = arith.constant 80 : index
    %swap3A_97 = tpu.vector_load %arg5[%swap3A_96] {strides = array<i32>} : memref<512xi32, #tpu.memory_space<vmem>>, vector<16xi32>,
    tpu.vector_store %arg5[%swap3A_96], %shift_right_logical3A_95 {strides = array<i32>} : memref<512xi32, #tpu.memory_space<vmem>>, vector<16xi32>,
    %mul3A_98 = arith.constant 200 : i32
    %mul3A_99 = vector.broadcast %mul3A_98 : i32 to vector<16xi32>
    %mul3A_100 = arith.muli %shift_right_logical3A_95, %mul3A_99 : vector<16xi32>
    %sub3A_101 = arith.subi %get3A_89, %mul3A_100 : vector<16xi32>
    %swap3A_102 = arith.constant 80 : index
    %swap3A_103 = tpu.vector_load %arg6[%swap3A_102] {strides = array<i32>} : memref<512xi32, #tpu.memory_space<vmem>>, vector<16xi32>,
    tpu.vector_store %arg6[%swap3A_102], %sub3A_101 {strides = array<i32>} : memref<512xi32, #tpu.memory_space<vmem>>, vector<16xi32>,
    %get3A_104 = arith.constant 96 : index
    %get3A_105 = tpu.vector_load %arg4[%get3A_104] {strides = array<i32>} : memref<512xi32, #tpu.memory_space<vmem>>, vector<16xi32>,
    %mul3A_106 = arith.constant 328 : i32
    %mul3A_107 = vector.broadcast %mul3A_106 : i32 to vector<16xi32>
    %mul3A_108 = arith.muli %get3A_105, %mul3A_107 : vector<16xi32>
    %shift_right_logical3A_109 = arith.constant 16 : i32
    %shift_right_logical3A_110 = vector.broadcast %shift_right_logical3A_109 : i32 to vector<16xi32>
    %shift_right_logical3A_111 = arith.shrui %mul3A_108, %shift_right_logical3A_110 : vector<16xi32>
    %swap3A_112 = arith.constant 96 : index
    %swap3A_113 = tpu.vector_load %arg5[%swap3A_112] {strides = array<i32>} : memref<512xi32, #tpu.memory_space<vmem>>, vector<16xi32>,
    tpu.vector_store %arg5[%swap3A_112], %shift_right_logical3A_111 {strides = array<i32>} : memref<512xi32, #tpu.memory_space<vmem>>, vector<16xi32>,
    %mul3A_114 = arith.constant 200 : i32
    %mul3A_115 = vector.broadcast %mul3A_114 : i32 to vector<16xi32>
    %mul3A_116 = arith.muli %shift_right_logical3A_111, %mul3A_115 : vector<16xi32>
    %sub3A_117 = arith.subi %get3A_105, %mul3A_116 : vector<16xi32>
    %swap3A_118 = arith.constant 96 : index
    %swap3A_119 = tpu.vector_load %arg6[%swap3A_118] {strides = array<i32>} : memref<512xi32, #tpu.memory_space<vmem>>, vector<16xi32>,
    tpu.vector_store %arg6[%swap3A_118], %sub3A_117 {strides = array<i32>} : memref<512xi32, #tpu.memory_space<vmem>>, vector<16xi32>,
    %get3A_120 = arith.constant 112 : index
    %get3A_121 = tpu.vector_load %arg4[%get3A_120] {strides = array<i32>} : memref<512xi32, #tpu.memory_space<vmem>>, vector<16xi32>,
    %mul3A_122 = arith.constant 328 : i32
    %mul3A_123 = vector.broadcast %mul3A_122 : i32 to vector<16xi32>
    %mul3A_124 = arith.muli %get3A_121, %mul3A_123 : vector<16xi32>
    %shift_right_logical3A_125 = arith.constant 16 : i32
    %shift_right_logical3A_126 = vector.broadcast %shift_right_logical3A_125 : i32 to vector<16xi32>
    %shift_right_logical3A_127 = arith.shrui %mul3A_124, %shift_right_logical3A_126 : vector<16xi32>
    %swap3A_128 = arith.constant 112 : index
    %swap3A_129 = tpu.vector_load %arg5[%swap3A_128] {strides = array<i32>} : memref<512xi32, #tpu.memory_space<vmem>>, vector<16xi32>,
    tpu.vector_store %arg5[%swap3A_128], %shift_right_logical3A_127 {strides = array<i32>} : memref<512xi32, #tpu.memory_space<vmem>>, vector<16xi32>,
    %mul3A_130 = arith.constant 200 : i32
    %mul3A_131 = vector.broadcast %mul3A_130 : i32 to vector<16xi32>
    %mul3A_132 = arith.muli %shift_right_logical3A_127, %mul3A_131 : vector<16xi32>
    %sub3A_133 = arith.subi %get3A_121, %mul3A_132 : vector<16xi32>
    %swap3A_134 = arith.constant 112 : index
    %swap3A_135 = tpu.vector_load %arg6[%swap3A_134] {strides = array<i32>} : memref<512xi32, #tpu.memory_space<vmem>>, vector<16xi32>,
    tpu.vector_store %arg6[%swap3A_134], %sub3A_133 {strides = array<i32>} : memref<512xi32, #tpu.memory_space<vmem>>, vector<16xi32>,
    %get3A_136 = arith.constant 128 : index
    %get3A_137 = tpu.vector_load %arg4[%get3A_136] {strides = array<i32>} : memref<512xi32, #tpu.memory_space<vmem>>, vector<16xi32>,
    %mul3A_138 = arith.constant 328 : i32
    %mul3A_139 = vector.broadcast %mul3A_138 : i32 to vector<16xi32>
    %mul3A_140 = arith.muli %get3A_137, %mul3A_139 : vector<16xi32>
    %shift_right_logical3A_141 = arith.constant 16 : i32
    %shift_right_logical3A_142 = vector.broadcast %shift_right_logical3A_141 : i32 to vector<16xi32>
    %shift_right_logical3A_143 = arith.shrui %mul3A_140, %shift_right_logical3A_142 : vector<16xi32>
    %swap3A_144 = arith.constant 128 : index
    %swap3A_145 = tpu.vector_load %arg5[%swap3A_144] {strides = array<i32>} : memref<512xi32, #tpu.memory_space<vmem>>, vector<16xi32>,
    tpu.vector_store %arg5[%swap3A_144], %shift_right_logical3A_143 {strides = array<i32>} : memref<512xi32, #tpu.memory_space<vmem>>, vector<16xi32>,
    %mul3A_146 = arith.constant 200 : i32
    %mul3A_147 = vector.broadcast %mul3A_146 : i32 to vector<16xi32>
    %mul3A_148 = arith.muli %shift_right_logical3A_143, %mul3A_147 : vector<16xi32>
    %sub3A_149 = arith.subi %get3A_137, %mul3A_148 : vector<16xi32>
    %swap3A_150 = arith.constant 128 : index
    %swap3A_151 = tpu.vector_load %arg6[%swap3A_150] {strides = array<i32>} : memref<512xi32, #tpu.memory_space<vmem>>, vector<16xi32>,
    tpu.vector_store %arg6[%swap3A_150], %sub3A_149 {strides = array<i32>} : memref<512xi32, #tpu.memory_space<vmem>>, vector<16xi32>,
    %get3A_152 = arith.constant 144 : index
    %get3A_153 = tpu.vector_load %arg4[%get3A_152] {strides = array<i32>} : memref<512xi32, #tpu.memory_space<vmem>>, vector<16xi32>,
    %mul3A_154 = arith.constant 328 : i32
    %mul3A_155 = vector.broadcast %mul3A_154 : i32 to vector<16xi32>
    %mul3A_156 = arith.muli %get3A_153, %mul3A_155 : vector<16xi32>
    %shift_right_logical3A_157 = arith.constant 16 : i32
    %shift_right_logical3A_158 = vector.broadcast %shift_right_logical3A_157 : i32 to vector<16xi32>
    %shift_right_logical3A_159 = arith.shrui %mul3A_156, %shift_right_logical3A_158 : vector<16xi32>
    %swap3A_160 = arith.constant 144 : index
    %swap3A_161 = tpu.vector_load %arg5[%swap3A_160] {strides = array<i32>} : memref<512xi32, #tpu.memory_space<vmem>>, vector<16xi32>,
    tpu.vector_store %arg5[%swap3A_160], %shift_right_logical3A_159 {strides = array<i32>} : memref<512xi32, #tpu.memory_space<vmem>>, vector<16xi32>,
    %mul3A_162 = arith.constant 200 : i32
    %mul3A_163 = vector.broadcast %mul3A_162 : i32 to vector<16xi32>
    %mul3A_164 = arith.muli %shift_right_logical3A_159, %mul3A_163 : vector<16xi32>
    %sub3A_165 = arith.subi %get3A_153, %mul3A_164 : vector<16xi32>
    %swap3A_166 = arith.constant 144 : index
    %swap3A_167 = tpu.vector_load %arg6[%swap3A_166] {strides = array<i32>} : memref<512xi32, #tpu.memory_space<vmem>>, vector<16xi32>,
    tpu.vector_store %arg6[%swap3A_166], %sub3A_165 {strides = array<i32>} : memref<512xi32, #tpu.memory_space<vmem>>, vector<16xi32>,
    %get3A_168 = arith.constant 160 : index
    %get3A_169 = tpu.vector_load %arg4[%get3A_168] {strides = array<i32>} : memref<512xi32, #tpu.memory_space<vmem>>, vector<16xi32>,
    %mul3A_170 = arith.constant 328 : i32
    %mul3A_171 = vector.broadcast %mul3A_170 : i32 to vector<16xi32>
    %mul3A_172 = arith.muli %get3A_169, %mul3A_171 : vector<16xi32>
    %shift_right_logical3A_173 = arith.constant 16 : i32
    %shift_right_logical3A_174 = vector.broadcast %shift_right_logical3A_173 : i32 to vector<16xi32>
    %shift_right_logical3A_175 = arith.shrui %mul3A_172, %shift_right_logical3A_174 : vector<16xi32>
    %swap3A_176 = arith.constant 160 : index
    %swap3A_177 = tpu.vector_load %arg5[%swap3A_176] {strides = array<i32>} : memref<512xi32, #tpu.memory_space<vmem>>, vector<16xi32>,
    tpu.vector_store %arg5[%swap3A_176], %shift_right_logical3A_175 {strides = array<i32>} : memref<512xi32, #tpu.memory_space<vmem>>, vector<16xi32>,
    %mul3A_178 = arith.constant 200 : i32
    %mul3A_179 = vector.broadcast %mul3A_178 : i32 to vector<16xi32>
    %mul3A_180 = arith.muli %shift_right_logical3A_175, %mul3A_179 : vector<16xi32>
    %sub3A_181 = arith.subi %get3A_169, %mul3A_180 : vector<16xi32>
    %swap3A_182 = arith.constant 160 : index
    %swap3A_183 = tpu.vector_load %arg6[%swap3A_182] {strides = array<i32>} : memref<512xi32, #tpu.memory_space<vmem>>, vector<16xi32>,
    tpu.vector_store %arg6[%swap3A_182], %sub3A_181 {strides = array<i32>} : memref<512xi32, #tpu.memory_space<vmem>>, vector<16xi32>,
    %get3A_184 = arith.constant 176 : index
    %get3A_185 = tpu.vector_load %arg4[%get3A_184] {strides = array<i32>} : memref<512xi32, #tpu.memory_space<vmem>>, vector<16xi32>,
    %mul3A_186 = arith.constant 328 : i32
    %mul3A_187 = vector.broadcast %mul3A_186 : i32 to vector<16xi32>
    %mul3A_188 = arith.muli %get3A_185, %mul3A_187 : vector<16xi32>
    %shift_right_logical3A_189 = arith.constant 16 : i32
    %shift_right_logical3A_190 = vector.broadcast %shift_right_logical3A_189 : i32 to vector<16xi32>
    %shift_right_logical3A_191 = arith.shrui %mul3A_188, %shift_right_logical3A_190 : vector<16xi32>
    %swap3A_192 = arith.constant 176 : index
    %swap3A_193 = tpu.vector_load %arg5[%swap3A_192] {strides = array<i32>} : memref<512xi32, #tpu.memory_space<vmem>>, vector<16xi32>,
    tpu.vector_store %arg5[%swap3A_192], %shift_right_logical3A_191 {strides = array<i32>} : memref<512xi32, #tpu.memory_space<vmem>>, vector<16xi32>,
    %mul3A_194 = arith.constant 200 : i32
    %mul3A_195 = vector.broadcast %mul3A_194 : i32 to vector<16xi32>
    %mul3A_196 = arith.muli %shift_right_logical3A_191, %mul3A_195 : vector<16xi32>
    %sub3A_197 = arith.subi %get3A_185, %mul3A_196 : vector<16xi32>
    %swap3A_198 = arith.constant 176 : index
    %swap3A_199 = tpu.vector_load %arg6[%swap3A_198] {strides = array<i32>} : memref<512xi32, #tpu.memory_space<vmem>>, vector<16xi32>,
    tpu.vector_store %arg6[%swap3A_198], %sub3A_197 {strides = array<i32>} : memref<512xi32, #tpu.memory_space<vmem>>, vector<16xi32>,
    %get3A_200 = arith.constant 192 : index
    %get3A_201 = tpu.vector_load %arg4[%get3A_200] {strides = array<i32>} : memref<512xi32, #tpu.memory_space<vmem>>, vector<16xi32>,
    %mul3A_202 = arith.constant 328 : i32
    %mul3A_203 = vector.broadcast %mul3A_202 : i32 to vector<16xi32>
    %mul3A_204 = arith.muli %get3A_201, %mul3A_203 : vector<16xi32>
    %shift_right_logical3A_205 = arith.constant 16 : i32
    %shift_right_logical3A_206 = vector.broadcast %shift_right_logical3A_205 : i32 to vector<16xi32>
    %shift_right_logical3A_207 = arith.shrui %mul3A_204, %shift_right_logical3A_206 : vector<16xi32>
    %swap3A_208 = arith.constant 192 : index
    %swap3A_209 = tpu.vector_load %arg5[%swap3A_208] {strides = array<i32>} : memref<512xi32, #tpu.memory_space<vmem>>, vector<16xi32>,
    tpu.vector_store %arg5[%swap3A_208], %shift_right_logical3A_207 {strides = array<i32>} : memref<512xi32, #tpu.memory_space<vmem>>, vector<16xi32>,
    %mul3A_210 = arith.constant 200 : i32
    %mul3A_211 = vector.broadcast %mul3A_210 : i32 to vector<16xi32>
    %mul3A_212 = arith.muli %shift_right_logical3A_207, %mul3A_211 : vector<16xi32>
    %sub3A_213 = arith.subi %get3A_201, %mul3A_212 : vector<16xi32>
    %swap3A_214 = arith.constant 192 : index
    %swap3A_215 = tpu.vector_load %arg6[%swap3A_214] {strides = array<i32>} : memref<512xi32, #tpu.memory_space<vmem>>, vector<16xi32>,
    tpu.vector_store %arg6[%swap3A_214], %sub3A_213 {strides = array<i32>} : memref<512xi32, #tpu.memory_space<vmem>>, vector<16xi32>,
    %get3A_216 = arith.constant 208 : index
    %get3A_217 = tpu.vector_load %arg4[%get3A_216] {strides = array<i32>} : memref<512xi32, #tpu.memory_space<vmem>>, vector<16xi32>,
    %mul3A_218 = arith.constant 328 : i32
    %mul3A_219 = vector.broadcast %mul3A_218 : i32 to vector<16xi32>
    %mul3A_220 = arith.muli %get3A_217, %mul3A_219 : vector<16xi32>
    %shift_right_logical3A_221 = arith.constant 16 : i32
    %shift_right_logical3A_222 = vector.broadcast %shift_right_logical3A_221 : i32 to vector<16xi32>
    %shift_right_logical3A_223 = arith.shrui %mul3A_220, %shift_right_logical3A_222 : vector<16xi32>
    %swap3A_224 = arith.constant 208 : index
    %swap3A_225 = tpu.vector_load %arg5[%swap3A_224] {strides = array<i32>} : memref<512xi32, #tpu.memory_space<vmem>>, vector<16xi32>,
    tpu.vector_store %arg5[%swap3A_224], %shift_right_logical3A_223 {strides = array<i32>} : memref<512xi32, #tpu.memory_space<vmem>>, vector<16xi32>,
    %mul3A_226 = arith.constant 200 : i32
    %mul3A_227 = vector.broadcast %mul3A_226 : i32 to vector<16xi32>
    %mul3A_228 = arith.muli %shift_right_logical3A_223, %mul3A_227 : vector<16xi32>
    %sub3A_229 = arith.subi %get3A_217, %mul3A_228 : vector<16xi32>
    %swap3A_230 = arith.constant 208 : index
    %swap3A_231 = tpu.vector_load %arg6[%swap3A_230] {strides = array<i32>} : memref<512xi32, #tpu.memory_space<vmem>>, vector<16xi32>,
    tpu.vector_store %arg6[%swap3A_230], %sub3A_229 {strides = array<i32>} : memref<512xi32, #tpu.memory_space<vmem>>, vector<16xi32>,
    %get3A_232 = arith.constant 224 : index
    %get3A_233 = tpu.vector_load %arg4[%get3A_232] {strides = array<i32>} : memref<512xi32, #tpu.memory_space<vmem>>, vector<16xi32>,
    %mul3A_234 = arith.constant 328 : i32
    %mul3A_235 = vector.broadcast %mul3A_234 : i32 to vector<16xi32>
    %mul3A_236 = arith.muli %get3A_233, %mul3A_235 : vector<16xi32>
    %shift_right_logical3A_237 = arith.constant 16 : i32
    %shift_right_logical3A_238 = vector.broadcast %shift_right_logical3A_237 : i32 to vector<16xi32>
    %shift_right_logical3A_239 = arith.shrui %mul3A_236, %shift_right_logical3A_238 : vector<16xi32>
    %swap3A_240 = arith.constant 224 : index
    %swap3A_241 = tpu.vector_load %arg5[%swap3A_240] {strides = array<i32>} : memref<512xi32, #tpu.memory_space<vmem>>, vector<16xi32>,
    tpu.vector_store %arg5[%swap3A_240], %shift_right_logical3A_239 {strides = array<i32>} : memref<512xi32, #tpu.memory_space<vmem>>, vector<16xi32>,
    %mul3A_242 = arith.constant 200 : i32
    %mul3A_243 = vector.broadcast %mul3A_242 : i32 to vector<16xi32>
    %mul3A_244 = arith.muli %shift_right_logical3A_239, %mul3A_243 : vector<16xi32>
    %sub3A_245 = arith.subi %get3A_233, %mul3A_244 : vector<16xi32>
    %swap3A_246 = arith.constant 224 : index
    %swap3A_247 = tpu.vector_load %arg6[%swap3A_246] {strides = array<i32>} : memref<512xi32, #tpu.memory_space<vmem>>, vector<16xi32>,
    tpu.vector_store %arg6[%swap3A_246], %sub3A_245 {strides = array<i32>} : memref<512xi32, #tpu.memory_space<vmem>>, vector<16xi32>,
    %get3A_248 = arith.constant 240 : index
    %get3A_249 = tpu.vector_load %arg4[%get3A_248] {strides = array<i32>} : memref<512xi32, #tpu.memory_space<vmem>>, vector<16xi32>,
    %mul3A_250 = arith.constant 328 : i32
    %mul3A_251 = vector.broadcast %mul3A_250 : i32 to vector<16xi32>
    %mul3A_252 = arith.muli %get3A_249, %mul3A_251 : vector<16xi32>
    %shift_right_logical3A_253 = arith.constant 16 : i32
    %shift_right_logical3A_254 = vector.broadcast %shift_right_logical3A_253 : i32 to vector<16xi32>
    %shift_right_logical3A_255 = arith.shrui %mul3A_252, %shift_right_logical3A_254 : vector<16xi32>
    %swap3A_256 = arith.constant 240 : index
    %swap3A_257 = tpu.vector_load %arg5[%swap3A_256] {strides = array<i32>} : memref<512xi32, #tpu.memory_space<vmem>>, vector<16xi32>,
    tpu.vector_store %arg5[%swap3A_256], %shift_right_logical3A_255 {strides = array<i32>} : memref<512xi32, #tpu.memory_space<vmem>>, vector<16xi32>,
    %mul3A_258 = arith.constant 200 : i32
    %mul3A_259 = vector.broadcast %mul3A_258 : i32 to vector<16xi32>
    %mul3A_260 = arith.muli %shift_right_logical3A_255, %mul3A_259 : vector<16xi32>
    %sub3A_261 = arith.subi %get3A_249, %mul3A_260 : vector<16xi32>
    %swap3A_262 = arith.constant 240 : index
    %swap3A_263 = tpu.vector_load %arg6[%swap3A_262] {strides = array<i32>} : memref<512xi32, #tpu.memory_space<vmem>>, vector<16xi32>,
    tpu.vector_store %arg6[%swap3A_262], %sub3A_261 {strides = array<i32>} : memref<512xi32, #tpu.memory_space<vmem>>, vector<16xi32>,
    %get3A_264 = arith.constant 256 : index
    %get3A_265 = tpu.vector_load %arg4[%get3A_264] {strides = array<i32>} : memref<512xi32, #tpu.memory_space<vmem>>, vector<16xi32>,
    %mul3A_266 = arith.constant 328 : i32
    %mul3A_267 = vector.broadcast %mul3A_266 : i32 to vector<16xi32>
    %mul3A_268 = arith.muli %get3A_265, %mul3A_267 : vector<16xi32>
    %shift_right_logical3A_269 = arith.constant 16 : i32
    %shift_right_logical3A_270 = vector.broadcast %shift_right_logical3A_269 : i32 to vector<16xi32>
    %shift_right_logical3A_271 = arith.shrui %mul3A_268, %shift_right_logical3A_270 : vector<16xi32>
    %swap3A_272 = arith.constant 256 : index
    %swap3A_273 = tpu.vector_load %arg5[%swap3A_272] {strides = array<i32>} : memref<512xi32, #tpu.memory_space<vmem>>, vector<16xi32>,
    tpu.vector_store %arg5[%swap3A_272], %shift_right_logical3A_271 {strides = array<i32>} : memref<512xi32, #tpu.memory_space<vmem>>, vector<16xi32>,
    %mul3A_274 = arith.constant 200 : i32
    %mul3A_275 = vector.broadcast %mul3A_274 : i32 to vector<16xi32>
    %mul3A_276 = arith.muli %shift_right_logical3A_271, %mul3A_275 : vector<16xi32>
    %sub3A_277 = arith.subi %get3A_265, %mul3A_276 : vector<16xi32>
    %swap3A_278 = arith.constant 256 : index
    %swap3A_279 = tpu.vector_load %arg6[%swap3A_278] {strides = array<i32>} : memref<512xi32, #tpu.memory_space<vmem>>, vector<16xi32>,
    tpu.vector_store %arg6[%swap3A_278], %sub3A_277 {strides = array<i32>} : memref<512xi32, #tpu.memory_space<vmem>>, vector<16xi32>,
    %get3A_280 = arith.constant 272 : index
    %get3A_281 = tpu.vector_load %arg4[%get3A_280] {strides = array<i32>} : memref<512xi32, #tpu.memory_space<vmem>>, vector<16xi32>,
    %mul3A_282 = arith.constant 328 : i32
    %mul3A_283 = vector.broadcast %mul3A_282 : i32 to vector<16xi32>
    %mul3A_284 = arith.muli %get3A_281, %mul3A_283 : vector<16xi32>
    %shift_right_logical3A_285 = arith.constant 16 : i32
    %shift_right_logical3A_286 = vector.broadcast %shift_right_logical3A_285 : i32 to vector<16xi32>
    %shift_right_logical3A_287 = arith.shrui %mul3A_284, %shift_right_logical3A_286 : vector<16xi32>
    %swap3A_288 = arith.constant 272 : index
    %swap3A_289 = tpu.vector_load %arg5[%swap3A_288] {strides = array<i32>} : memref<512xi32, #tpu.memory_space<vmem>>, vector<16xi32>,
    tpu.vector_store %arg5[%swap3A_288], %shift_right_logical3A_287 {strides = array<i32>} : memref<512xi32, #tpu.memory_space<vmem>>, vector<16xi32>,
    %mul3A_290 = arith.constant 200 : i32
    %mul3A_291 = vector.broadcast %mul3A_290 : i32 to vector<16xi32>
    %mul3A_292 = arith.muli %shift_right_logical3A_287, %mul3A_291 : vector<16xi32>
    %sub3A_293 = arith.subi %get3A_281, %mul3A_292 : vector<16xi32>
    %swap3A_294 = arith.constant 272 : index
    %swap3A_295 = tpu.vector_load %arg6[%swap3A_294] {strides = array<i32>} : memref<512xi32, #tpu.memory_space<vmem>>, vector<16xi32>,
    tpu.vector_store %arg6[%swap3A_294], %sub3A_293 {strides = array<i32>} : memref<512xi32, #tpu.memory_space<vmem>>, vector<16xi32>,
    %get3A_296 = arith.constant 288 : index
    %get3A_297 = tpu.vector_load %arg4[%get3A_296] {strides = array<i32>} : memref<512xi32, #tpu.memory_space<vmem>>, vector<16xi32>,
    %mul3A_298 = arith.constant 328 : i32
    %mul3A_299 = vector.broadcast %mul3A_298 : i32 to vector<16xi32>
    %mul3A_300 = arith.muli %get3A_297, %mul3A_299 : vector<16xi32>
    %shift_right_logical3A_301 = arith.constant 16 : i32
    %shift_right_logical3A_302 = vector.broadcast %shift_right_logical3A_301 : i32 to vector<16xi32>
    %shift_right_logical3A_303 = arith.shrui %mul3A_300, %shift_right_logical3A_302 : vector<16xi32>
    %swap3A_304 = arith.constant 288 : index
    %swap3A_305 = tpu.vector_load %arg5[%swap3A_304] {strides = array<i32>} : memref<512xi32, #tpu.memory_space<vmem>>, vector<16xi32>,
    tpu.vector_store %arg5[%swap3A_304], %shift_right_logical3A_303 {strides = array<i32>} : memref<512xi32, #tpu.memory_space<vmem>>, vector<16xi32>,
    %mul3A_306 = arith.constant 200 : i32
    %mul3A_307 = vector.broadcast %mul3A_306 : i32 to vector<16xi32>
    %mul3A_308 = arith.muli %shift_right_logical3A_303, %mul3A_307 : vector<16xi32>
    %sub3A_309 = arith.subi %get3A_297, %mul3A_308 : vector<16xi32>
    %swap3A_310 = arith.constant 288 : index
    %swap3A_311 = tpu.vector_load %arg6[%swap3A_310] {strides = array<i32>} : memref<512xi32, #tpu.memory_space<vmem>>, vector<16xi32>,
    tpu.vector_store %arg6[%swap3A_310], %sub3A_309 {strides = array<i32>} : memref<512xi32, #tpu.memory_space<vmem>>, vector<16xi32>,
    %get3A_312 = arith.constant 304 : index
    %get3A_313 = tpu.vector_load %arg4[%get3A_312] {strides = array<i32>} : memref<512xi32, #tpu.memory_space<vmem>>, vector<16xi32>,
    %mul3A_314 = arith.constant 328 : i32
    %mul3A_315 = vector.broadcast %mul3A_314 : i32 to vector<16xi32>
    %mul3A_316 = arith.muli %get3A_313, %mul3A_315 : vector<16xi32>
    %shift_right_logical3A_317 = arith.constant 16 : i32
    %shift_right_logical3A_318 = vector.broadcast %shift_right_logical3A_317 : i32 to vector<16xi32>
    %shift_right_logical3A_319 = arith.shrui %mul3A_316, %shift_right_logical3A_318 : vector<16xi32>
    %swap3A_320 = arith.constant 304 : index
    %swap3A_321 = tpu.vector_load %arg5[%swap3A_320] {strides = array<i32>} : memref<512xi32, #tpu.memory_space<vmem>>, vector<16xi32>,
    tpu.vector_store %arg5[%swap3A_320], %shift_right_logical3A_319 {strides = array<i32>} : memref<512xi32, #tpu.memory_space<vmem>>, vector<16xi32>,
    %mul3A_322 = arith.constant 200 : i32
    %mul3A_323 = vector.broadcast %mul3A_322 : i32 to vector<16xi32>
    %mul3A_324 = arith.muli %shift_right_logical3A_319, %mul3A_323 : vector<16xi32>
    %sub3A_325 = arith.subi %get3A_313, %mul3A_324 : vector<16xi32>
    %swap3A_326 = arith.constant 304 : index
    %swap3A_327 = tpu.vector_load %arg6[%swap3A_326] {strides = array<i32>} : memref<512xi32, #tpu.memory_space<vmem>>, vector<16xi32>,
    tpu.vector_store %arg6[%swap3A_326], %sub3A_325 {strides = array<i32>} : memref<512xi32, #tpu.memory_space<vmem>>, vector<16xi32>,
    %get3A_328 = arith.constant 320 : index
    %get3A_329 = tpu.vector_load %arg4[%get3A_328] {strides = array<i32>} : memref<512xi32, #tpu.memory_space<vmem>>, vector<16xi32>,
    %mul3A_330 = arith.constant 328 : i32
    %mul3A_331 = vector.broadcast %mul3A_330 : i32 to vector<16xi32>
    %mul3A_332 = arith.muli %get3A_329, %mul3A_331 : vector<16xi32>
    %shift_right_logical3A_333 = arith.constant 16 : i32
    %shift_right_logical3A_334 = vector.broadcast %shift_right_logical3A_333 : i32 to vector<16xi32>
    %shift_right_logical3A_335 = arith.shrui %mul3A_332, %shift_right_logical3A_334 : vector<16xi32>
    %swap3A_336 = arith.constant 320 : index
    %swap3A_337 = tpu.vector_load %arg5[%swap3A_336] {strides = array<i32>} : memref<512xi32, #tpu.memory_space<vmem>>, vector<16xi32>,
    tpu.vector_store %arg5[%swap3A_336], %shift_right_logical3A_335 {strides = array<i32>} : memref<512xi32, #tpu.memory_space<vmem>>, vector<16xi32>,
    %mul3A_338 = arith.constant 200 : i32
    %mul3A_339 = vector.broadcast %mul3A_338 : i32 to vector<16xi32>
    %mul3A_340 = arith.muli %shift_right_logical3A_335, %mul3A_339 : vector<16xi32>
    %sub3A_341 = arith.subi %get3A_329, %mul3A_340 : vector<16xi32>
    %swap3A_342 = arith.constant 320 : index
    %swap3A_343 = tpu.vector_load %arg6[%swap3A_342] {strides = array<i32>} : memref<512xi32, #tpu.memory_space<vmem>>, vector<16xi32>,
    tpu.vector_store %arg6[%swap3A_342], %sub3A_341 {strides = array<i32>} : memref<512xi32, #tpu.memory_space<vmem>>, vector<16xi32>,
    %get3A_344 = arith.constant 336 : index
    %get3A_345 = tpu.vector_load %arg4[%get3A_344] {strides = array<i32>} : memref<512xi32, #tpu.memory_space<vmem>>, vector<16xi32>,
    %mul3A_346 = arith.constant 328 : i32
    %mul3A_347 = vector.broadcast %mul3A_346 : i32 to vector<16xi32>
    %mul3A_348 = arith.muli %get3A_345, %mul3A_347 : vector<16xi32>
    %shift_right_logical3A_349 = arith.constant 16 : i32
    %shift_right_logical3A_350 = vector.broadcast %shift_right_logical3A_349 : i32 to vector<16xi32>
    %shift_right_logical3A_351 = arith.shrui %mul3A_348, %shift_right_logical3A_350 : vector<16xi32>
    %swap3A_352 = arith.constant 336 : index
    %swap3A_353 = tpu.vector_load %arg5[%swap3A_352] {strides = array<i32>} : memref<512xi32, #tpu.memory_space<vmem>>, vector<16xi32>,
    tpu.vector_store %arg5[%swap3A_352], %shift_right_logical3A_351 {strides = array<i32>} : memref<512xi32, #tpu.memory_space<vmem>>, vector<16xi32>,
    %mul3A_354 = arith.constant 200 : i32
    %mul3A_355 = vector.broadcast %mul3A_354 : i32 to vector<16xi32>
    %mul3A_356 = arith.muli %shift_right_logical3A_351, %mul3A_355 : vector<16xi32>
    %sub3A_357 = arith.subi %get3A_345, %mul3A_356 : vector<16xi32>
    %swap3A_358 = arith.constant 336 : index
    %swap3A_359 = tpu.vector_load %arg6[%swap3A_358] {strides = array<i32>} : memref<512xi32, #tpu.memory_space<vmem>>, vector<16xi32>,
    tpu.vector_store %arg6[%swap3A_358], %sub3A_357 {strides = array<i32>} : memref<512xi32, #tpu.memory_space<vmem>>, vector<16xi32>,
    %get3A_360 = arith.constant 352 : index
    %get3A_361 = tpu.vector_load %arg4[%get3A_360] {strides = array<i32>} : memref<512xi32, #tpu.memory_space<vmem>>, vector<16xi32>,
    %mul3A_362 = arith.constant 328 : i32
    %mul3A_363 = vector.broadcast %mul3A_362 : i32 to vector<16xi32>
    %mul3A_364 = arith.muli %get3A_361, %mul3A_363 : vector<16xi32>
    %shift_right_logical3A_365 = arith.constant 16 : i32
    %shift_right_logical3A_366 = vector.broadcast %shift_right_logical3A_365 : i32 to vector<16xi32>
    %shift_right_logical3A_367 = arith.shrui %mul3A_364, %shift_right_logical3A_366 : vector<16xi32>
    %swap3A_368 = arith.constant 352 : index
    %swap3A_369 = tpu.vector_load %arg5[%swap3A_368] {strides = array<i32>} : memref<512xi32, #tpu.memory_space<vmem>>, vector<16xi32>,
    tpu.vector_store %arg5[%swap3A_368], %shift_right_logical3A_367 {strides = array<i32>} : memref<512xi32, #tpu.memory_space<vmem>>, vector<16xi32>,
    %mul3A_370 = arith.constant 200 : i32
    %mul3A_371 = vector.broadcast %mul3A_370 : i32 to vector<16xi32>
    %mul3A_372 = arith.muli %shift_right_logical3A_367, %mul3A_371 : vector<16xi32>
    %sub3A_373 = arith.subi %get3A_361, %mul3A_372 : vector<16xi32>
    %swap3A_374 = arith.constant 352 : index
    %swap3A_375 = tpu.vector_load %arg6[%swap3A_374] {strides = array<i32>} : memref<512xi32, #tpu.memory_space<vmem>>, vector<16xi32>,
    tpu.vector_store %arg6[%swap3A_374], %sub3A_373 {strides = array<i32>} : memref<512xi32, #tpu.memory_space<vmem>>, vector<16xi32>,
    %get3A_376 = arith.constant 368 : index
    %get3A_377 = tpu.vector_load %arg4[%get3A_376] {strides = array<i32>} : memref<512xi32, #tpu.memory_space<vmem>>, vector<16xi32>,
    %mul3A_378 = arith.constant 328 : i32
    %mul3A_379 = vector.broadcast %mul3A_378 : i32 to vector<16xi32>
    %mul3A_380 = arith.muli %get3A_377, %mul3A_379 : vector<16xi32>
    %shift_right_logical3A_381 = arith.constant 16 : i32
    %shift_right_logical3A_382 = vector.broadcast %shift_right_logical3A_381 : i32 to vector<16xi32>
    %shift_right_logical3A_383 = arith.shrui %mul3A_380, %shift_right_logical3A_382 : vector<16xi32>
    %swap3A_384 = arith.constant 368 : index
    %swap3A_385 = tpu.vector_load %arg5[%swap3A_384] {strides = array<i32>} : memref<512xi32, #tpu.memory_space<vmem>>, vector<16xi32>,
    tpu.vector_store %arg5[%swap3A_384], %shift_right_logical3A_383 {strides = array<i32>} : memref<512xi32, #tpu.memory_space<vmem>>, vector<16xi32>,
    %mul3A_386 = arith.constant 200 : i32
    %mul3A_387 = vector.broadcast %mul3A_386 : i32 to vector<16xi32>
    %mul3A_388 = arith.muli %shift_right_logical3A_383, %mul3A_387 : vector<16xi32>
    %sub3A_389 = arith.subi %get3A_377, %mul3A_388 : vector<16xi32>
    %swap3A_390 = arith.constant 368 : index
    %swap3A_391 = tpu.vector_load %arg6[%swap3A_390] {strides = array<i32>} : memref<512xi32, #tpu.memory_space<vmem>>, vector<16xi32>,
    tpu.vector_store %arg6[%swap3A_390], %sub3A_389 {strides = array<i32>} : memref<512xi32, #tpu.memory_space<vmem>>, vector<16xi32>,
    %get3A_392 = arith.constant 384 : index
    %get3A_393 = tpu.vector_load %arg4[%get3A_392] {strides = array<i32>} : memref<512xi32, #tpu.memory_space<vmem>>, vector<16xi32>,
    %mul3A_394 = arith.constant 328 : i32
    %mul3A_395 = vector.broadcast %mul3A_394 : i32 to vector<16xi32>
    %mul3A_396 = arith.muli %get3A_393, %mul3A_395 : vector<16xi32>
    %shift_right_logical3A_397 = arith.constant 16 : i32
    %shift_right_logical3A_398 = vector.broadcast %shift_right_logical3A_397 : i32 to vector<16xi32>
    %shift_right_logical3A_399 = arith.shrui %mul3A_396, %shift_right_logical3A_398 : vector<16xi32>
    %swap3A_400 = arith.constant 384 : index
    %swap3A_401 = tpu.vector_load %arg5[%swap3A_400] {strides = array<i32>} : memref<512xi32, #tpu.memory_space<vmem>>, vector<16xi32>,
    tpu.vector_store %arg5[%swap3A_400], %shift_right_logical3A_399 {strides = array<i32>} : memref<512xi32, #tpu.memory_space<vmem>>, vector<16xi32>,
    %mul3A_402 = arith.constant 200 : i32
    %mul3A_403 = vector.broadcast %mul3A_402 : i32 to vector<16xi32>
    %mul3A_404 = arith.muli %shift_right_logical3A_399, %mul3A_403 : vector<16xi32>
    %sub3A_405 = arith.subi %get3A_393, %mul3A_404 : vector<16xi32>
    %swap3A_406 = arith.constant 384 : index
    %swap3A_407 = tpu.vector_load %arg6[%swap3A_406] {strides = array<i32>} : memref<512xi32, #tpu.memory_space<vmem>>, vector<16xi32>,
    tpu.vector_store %arg6[%swap3A_406], %sub3A_405 {strides = array<i32>} : memref<512xi32, #tpu.memory_space<vmem>>, vector<16xi32>,
    %get3A_408 = arith.constant 400 : index
    %get3A_409 = tpu.vector_load %arg4[%get3A_408] {strides = array<i32>} : memref<512xi32, #tpu.memory_space<vmem>>, vector<16xi32>,
    %mul3A_410 = arith.constant 328 : i32
    %mul3A_411 = vector.broadcast %mul3A_410 : i32 to vector<16xi32>
    %mul3A_412 = arith.muli %get3A_409, %mul3A_411 : vector<16xi32>
    %shift_right_logical3A_413 = arith.constant 16 : i32
    %shift_right_logical3A_414 = vector.broadcast %shift_right_logical3A_413 : i32 to vector<16xi32>
    %shift_right_logical3A_415 = arith.shrui %mul3A_412, %shift_right_logical3A_414 : vector<16xi32>
    %swap3A_416 = arith.constant 400 : index
    %swap3A_417 = tpu.vector_load %arg5[%swap3A_416] {strides = array<i32>} : memref<512xi32, #tpu.memory_space<vmem>>, vector<16xi32>,
    tpu.vector_store %arg5[%swap3A_416], %shift_right_logical3A_415 {strides = array<i32>} : memref<512xi32, #tpu.memory_space<vmem>>, vector<16xi32>,
    %mul3A_418 = arith.constant 200 : i32
    %mul3A_419 = vector.broadcast %mul3A_418 : i32 to vector<16xi32>
    %mul3A_420 = arith.muli %shift_right_logical3A_415, %mul3A_419 : vector<16xi32>
    %sub3A_421 = arith.subi %get3A_409, %mul3A_420 : vector<16xi32>
    %swap3A_422 = arith.constant 400 : index
    %swap3A_423 = tpu.vector_load %arg6[%swap3A_422] {strides = array<i32>} : memref<512xi32, #tpu.memory_space<vmem>>, vector<16xi32>,
    tpu.vector_store %arg6[%swap3A_422], %sub3A_421 {strides = array<i32>} : memref<512xi32, #tpu.memory_space<vmem>>, vector<16xi32>,
    %get3A_424 = arith.constant 416 : index
    %get3A_425 = tpu.vector_load %arg4[%get3A_424] {strides = array<i32>} : memref<512xi32, #tpu.memory_space<vmem>>, vector<16xi32>,
    %mul3A_426 = arith.constant 328 : i32
    %mul3A_427 = vector.broadcast %mul3A_426 : i32 to vector<16xi32>
    %mul3A_428 = arith.muli %get3A_425, %mul3A_427 : vector<16xi32>
    %shift_right_logical3A_429 = arith.constant 16 : i32
    %shift_right_logical3A_430 = vector.broadcast %shift_right_logical3A_429 : i32 to vector<16xi32>
    %shift_right_logical3A_431 = arith.shrui %mul3A_428, %shift_right_logical3A_430 : vector<16xi32>
    %swap3A_432 = arith.constant 416 : index
    %swap3A_433 = tpu.vector_load %arg5[%swap3A_432] {strides = array<i32>} : memref<512xi32, #tpu.memory_space<vmem>>, vector<16xi32>,
    tpu.vector_store %arg5[%swap3A_432], %shift_right_logical3A_431 {strides = array<i32>} : memref<512xi32, #tpu.memory_space<vmem>>, vector<16xi32>,
    %mul3A_434 = arith.constant 200 : i32
    %mul3A_435 = vector.broadcast %mul3A_434 : i32 to vector<16xi32>
    %mul3A_436 = arith.muli %shift_right_logical3A_431, %mul3A_435 : vector<16xi32>
    %sub3A_437 = arith.subi %get3A_425, %mul3A_436 : vector<16xi32>
    %swap3A_438 = arith.constant 416 : index
    %swap3A_439 = tpu.vector_load %arg6[%swap3A_438] {strides = array<i32>} : memref<512xi32, #tpu.memory_space<vmem>>, vector<16xi32>,
    tpu.vector_store %arg6[%swap3A_438], %sub3A_437 {strides = array<i32>} : memref<512xi32, #tpu.memory_space<vmem>>, vector<16xi32>,
    %get3A_440 = arith.constant 432 : index
    %get3A_441 = tpu.vector_load %arg4[%get3A_440] {strides = array<i32>} : memref<512xi32, #tpu.memory_space<vmem>>, vector<16xi32>,
    %mul3A_442 = arith.constant 328 : i32
    %mul3A_443 = vector.broadcast %mul3A_442 : i32 to vector<16xi32>
    %mul3A_444 = arith.muli %get3A_441, %mul3A_443 : vector<16xi32>
    %shift_right_logical3A_445 = arith.constant 16 : i32
    %shift_right_logical3A_446 = vector.broadcast %shift_right_logical3A_445 : i32 to vector<16xi32>
    %shift_right_logical3A_447 = arith.shrui %mul3A_444, %shift_right_logical3A_446 : vector<16xi32>
    %swap3A_448 = arith.constant 432 : index
    %swap3A_449 = tpu.vector_load %arg5[%swap3A_448] {strides = array<i32>} : memref<512xi32, #tpu.memory_space<vmem>>, vector<16xi32>,
    tpu.vector_store %arg5[%swap3A_448], %shift_right_logical3A_447 {strides = array<i32>} : memref<512xi32, #tpu.memory_space<vmem>>, vector<16xi32>,
    %mul3A_450 = arith.constant 200 : i32
    %mul3A_451 = vector.broadcast %mul3A_450 : i32 to vector<16xi32>
    %mul3A_452 = arith.muli %shift_right_logical3A_447, %mul3A_451 : vector<16xi32>
    %sub3A_453 = arith.subi %get3A_441, %mul3A_452 : vector<16xi32>
    %swap3A_454 = arith.constant 432 : index
    %swap3A_455 = tpu.vector_load %arg6[%swap3A_454] {strides = array<i32>} : memref<512xi32, #tpu.memory_space<vmem>>, vector<16xi32>,
    tpu.vector_store %arg6[%swap3A_454], %sub3A_453 {strides = array<i32>} : memref<512xi32, #tpu.memory_space<vmem>>, vector<16xi32>,
    %get3A_456 = arith.constant 448 : index
    %get3A_457 = tpu.vector_load %arg4[%get3A_456] {strides = array<i32>} : memref<512xi32, #tpu.memory_space<vmem>>, vector<16xi32>,
    %mul3A_458 = arith.constant 328 : i32
    %mul3A_459 = vector.broadcast %mul3A_458 : i32 to vector<16xi32>
    %mul3A_460 = arith.muli %get3A_457, %mul3A_459 : vector<16xi32>
    %shift_right_logical3A_461 = arith.constant 16 : i32
    %shift_right_logical3A_462 = vector.broadcast %shift_right_logical3A_461 : i32 to vector<16xi32>
    %shift_right_logical3A_463 = arith.shrui %mul3A_460, %shift_right_logical3A_462 : vector<16xi32>
    %swap3A_464 = arith.constant 448 : index
    %swap3A_465 = tpu.vector_load %arg5[%swap3A_464] {strides = array<i32>} : memref<512xi32, #tpu.memory_space<vmem>>, vector<16xi32>,
    tpu.vector_store %arg5[%swap3A_464], %shift_right_logical3A_463 {strides = array<i32>} : memref<512xi32, #tpu.memory_space<vmem>>, vector<16xi32>,
    %mul3A_466 = arith.constant 200 : i32
    %mul3A_467 = vector.broadcast %mul3A_466 : i32 to vector<16xi32>
    %mul3A_468 = arith.muli %shift_right_logical3A_463, %mul3A_467 : vector<16xi32>
    %sub3A_469 = arith.subi %get3A_457, %mul3A_468 : vector<16xi32>
    %swap3A_470 = arith.constant 448 : index
    %swap3A_471 = tpu.vector_load %arg6[%swap3A_470] {strides = array<i32>} : memref<512xi32, #tpu.memory_space<vmem>>, vector<16xi32>,
    tpu.vector_store %arg6[%swap3A_470], %sub3A_469 {strides = array<i32>} : memref<512xi32, #tpu.memory_space<vmem>>, vector<16xi32>,
    %get3A_472 = arith.constant 464 : index
    %get3A_473 = tpu.vector_load %arg4[%get3A_472] {strides = array<i32>} : memref<512xi32, #tpu.memory_space<vmem>>, vector<16xi32>,
    %mul3A_474 = arith.constant 328 : i32
    %mul3A_475 = vector.broadcast %mul3A_474 : i32 to vector<16xi32>
    %mul3A_476 = arith.muli %get3A_473, %mul3A_475 : vector<16xi32>
    %shift_right_logical3A_477 = arith.constant 16 : i32
    %shift_right_logical3A_478 = vector.broadcast %shift_right_logical3A_477 : i32 to vector<16xi32>
    %shift_right_logical3A_479 = arith.shrui %mul3A_476, %shift_right_logical3A_478 : vector<16xi32>
    %swap3A_480 = arith.constant 464 : index
    %swap3A_481 = tpu.vector_load %arg5[%swap3A_480] {strides = array<i32>} : memref<512xi32, #tpu.memory_space<vmem>>, vector<16xi32>,
    tpu.vector_store %arg5[%swap3A_480], %shift_right_logical3A_479 {strides = array<i32>} : memref<512xi32, #tpu.memory_space<vmem>>, vector<16xi32>,
    %mul3A_482 = arith.constant 200 : i32
    %mul3A_483 = vector.broadcast %mul3A_482 : i32 to vector<16xi32>
    %mul3A_484 = arith.muli %shift_right_logical3A_479, %mul3A_483 : vector<16xi32>
    %sub3A_485 = arith.subi %get3A_473, %mul3A_484 : vector<16xi32>
    %swap3A_486 = arith.constant 464 : index
    %swap3A_487 = tpu.vector_load %arg6[%swap3A_486] {strides = array<i32>} : memref<512xi32, #tpu.memory_space<vmem>>, vector<16xi32>,
    tpu.vector_store %arg6[%swap3A_486], %sub3A_485 {strides = array<i32>} : memref<512xi32, #tpu.memory_space<vmem>>, vector<16xi32>,
    %get3A_488 = arith.constant 480 : index
    %get3A_489 = tpu.vector_load %arg4[%get3A_488] {strides = array<i32>} : memref<512xi32, #tpu.memory_space<vmem>>, vector<16xi32>,
    %mul3A_490 = arith.constant 328 : i32
    %mul3A_491 = vector.broadcast %mul3A_490 : i32 to vector<16xi32>
    %mul3A_492 = arith.muli %get3A_489, %mul3A_491 : vector<16xi32>
    %shift_right_logical3A_493 = arith.constant 16 : i32
    %shift_right_logical3A_494 = vector.broadcast %shift_right_logical3A_493 : i32 to vector<16xi32>
    %shift_right_logical3A_495 = arith.shrui %mul3A_492, %shift_right_logical3A_494 : vector<16xi32>
    %swap3A_496 = arith.constant 480 : index
    %swap3A_497 = tpu.vector_load %arg5[%swap3A_496] {strides = array<i32>} : memref<512xi32, #tpu.memory_space<vmem>>, vector<16xi32>,
    tpu.vector_store %arg5[%swap3A_496], %shift_right_logical3A_495 {strides = array<i32>} : memref<512xi32, #tpu.memory_space<vmem>>, vector<16xi32>,
    %mul3A_498 = arith.constant 200 : i32
    %mul3A_499 = vector.broadcast %mul3A_498 : i32 to vector<16xi32>
    %mul3A_500 = arith.muli %shift_right_logical3A_495, %mul3A_499 : vector<16xi32>
    %sub3A_501 = arith.subi %get3A_489, %mul3A_500 : vector<16xi32>
    %swap3A_502 = arith.constant 480 : index
    %swap3A_503 = tpu.vector_load %arg6[%swap3A_502] {strides = array<i32>} : memref<512xi32, #tpu.memory_space<vmem>>, vector<16xi32>,
    tpu.vector_store %arg6[%swap3A_502], %sub3A_501 {strides = array<i32>} : memref<512xi32, #tpu.memory_space<vmem>>, vector<16xi32>,
    %get3A_504 = arith.constant 496 : index
    %get3A_505 = tpu.vector_load %arg4[%get3A_504] {strides = array<i32>} : memref<512xi32, #tpu.memory_space<vmem>>, vector<16xi32>,
    %mul3A_506 = arith.constant 328 : i32
    %mul3A_507 = vector.broadcast %mul3A_506 : i32 to vector<16xi32>
    %mul3A_508 = arith.muli %get3A_505, %mul3A_507 : vector<16xi32>
    %shift_right_logical3A_509 = arith.constant 16 : i32
    %shift_right_logical3A_510 = vector.broadcast %shift_right_logical3A_509 : i32 to vector<16xi32>
    %shift_right_logical3A_511 = arith.shrui %mul3A_508, %shift_right_logical3A_510 : vector<16xi32>
    %swap3A_512 = arith.constant 496 : index
    %swap3A_513 = tpu.vector_load %arg5[%swap3A_512] {strides = array<i32>} : memref<512xi32, #tpu.memory_space<vmem>>, vector<16xi32>,
    tpu.vector_store %arg5[%swap3A_512], %shift_right_logical3A_511 {strides = array<i32>} : memref<512xi32, #tpu.memory_space<vmem>>, vector<16xi32>,
    %mul3A_514 = arith.constant 200 : i32
    %mul3A_515 = vector.broadcast %mul3A_514 : i32 to vector<16xi32>
    %mul3A_516 = arith.muli %shift_right_logical3A_511, %mul3A_515 : vector<16xi32>
    %sub3A_517 = arith.subi %get3A_505, %mul3A_516 : vector<16xi32>
    %swap3A_518 = arith.constant 496 : index
    %swap3A_519 = tpu.vector_load %arg6[%swap3A_518] {strides = array<i32>} : memref<512xi32, #tpu.memory_space<vmem>>, vector<16xi32>,
    tpu.vector_store %arg6[%swap3A_518], %sub3A_517 {strides = array<i32>} : memref<512xi32, #tpu.memory_space<vmem>>, vector<16xi32>,
    %iota3A = tpu.iota {dimensions = array<i32: 0>} : vector<16xi32>
    %broadcast_in_dim3A_520 = arith.constant 1.000000e+00 : f32
    %broadcast_in_dim3A_521 = vector.broadcast %broadcast_in_dim3A_520 : f32 to vector<16xf32>
    %get3A_522 = arith.constant 0 : index
    %get3A_523 = tpu.vector_load %arg5[%get3A_522] {strides = array<i32>} : memref<512xi32, #tpu.memory_space<vmem>>, vector<16xi32>,
    %get3A_524 = arith.constant 0 : index
    %get3A_525 = tpu.vector_load %arg6[%get3A_524] {strides = array<i32>} : memref<512xi32, #tpu.memory_space<vmem>>, vector<16xi32>,
    %add3A_526 = arith.constant 0 : i32
    %add3A_527 = vector.broadcast %add3A_526 : i32 to vector<16xi32>
    %add3A_528 = arith.addi %add3A_527, %iota3A : vector<16xi32>
    %eq3A = arith.constant 0 : i32
    %eq3A_529 = vector.broadcast %eq3A : i32 to vector<16xi32>
    %eq3A_530 = arith.cmpi eq, %get3A_523, %eq3A_529 : vector<16xi32>
    tpu.vector_store_idx %arg7[%get3A_525, %add3A_528], %broadcast_in_dim3A_521 masked %eq3A_530 : memref<200x128xf32, #tpu.memory_space<vmem>>[vector<16xi32>, vector<16xi32>], vector<16xf32>, vector<16xi1>
    %get3A_531 = arith.constant 16 : index
    %get3A_532 = tpu.vector_load %arg5[%get3A_531] {strides = array<i32>} : memref<512xi32, #tpu.memory_space<vmem>>, vector<16xi32>,
    %get3A_533 = arith.constant 16 : index
    %get3A_534 = tpu.vector_load %arg6[%get3A_533] {strides = array<i32>} : memref<512xi32, #tpu.memory_space<vmem>>, vector<16xi32>,
    %add3A_535 = arith.constant 16 : i32
    %add3A_536 = vector.broadcast %add3A_535 : i32 to vector<16xi32>
    %add3A_537 = arith.addi %add3A_536, %iota3A : vector<16xi32>
    %eq3A_538 = arith.constant 0 : i32
    %eq3A_539 = vector.broadcast %eq3A_538 : i32 to vector<16xi32>
    %eq3A_540 = arith.cmpi eq, %get3A_532, %eq3A_539 : vector<16xi32>
    tpu.vector_store_idx %arg7[%get3A_534, %add3A_537], %broadcast_in_dim3A_521 masked %eq3A_540 : memref<200x128xf32, #tpu.memory_space<vmem>>[vector<16xi32>, vector<16xi32>], vector<16xf32>, vector<16xi1>
    %get3A_541 = arith.constant 32 : index
    %get3A_542 = tpu.vector_load %arg5[%get3A_541] {strides = array<i32>} : memref<512xi32, #tpu.memory_space<vmem>>, vector<16xi32>,
    %get3A_543 = arith.constant 32 : index
    %get3A_544 = tpu.vector_load %arg6[%get3A_543] {strides = array<i32>} : memref<512xi32, #tpu.memory_space<vmem>>, vector<16xi32>,
    %add3A_545 = arith.constant 32 : i32
    %add3A_546 = vector.broadcast %add3A_545 : i32 to vector<16xi32>
    %add3A_547 = arith.addi %add3A_546, %iota3A : vector<16xi32>
    %eq3A_548 = arith.constant 0 : i32
    %eq3A_549 = vector.broadcast %eq3A_548 : i32 to vector<16xi32>
    %eq3A_550 = arith.cmpi eq, %get3A_542, %eq3A_549 : vector<16xi32>
    tpu.vector_store_idx %arg7[%get3A_544, %add3A_547], %broadcast_in_dim3A_521 masked %eq3A_550 : memref<200x128xf32, #tpu.memory_space<vmem>>[vector<16xi32>, vector<16xi32>], vector<16xf32>, vector<16xi1>
    %get3A_551 = arith.constant 48 : index
    %get3A_552 = tpu.vector_load %arg5[%get3A_551] {strides = array<i32>} : memref<512xi32, #tpu.memory_space<vmem>>, vector<16xi32>,
    %get3A_553 = arith.constant 48 : index
    %get3A_554 = tpu.vector_load %arg6[%get3A_553] {strides = array<i32>} : memref<512xi32, #tpu.memory_space<vmem>>, vector<16xi32>,
    %add3A_555 = arith.constant 48 : i32
    %add3A_556 = vector.broadcast %add3A_555 : i32 to vector<16xi32>
    %add3A_557 = arith.addi %add3A_556, %iota3A : vector<16xi32>
    %eq3A_558 = arith.constant 0 : i32
    %eq3A_559 = vector.broadcast %eq3A_558 : i32 to vector<16xi32>
    %eq3A_560 = arith.cmpi eq, %get3A_552, %eq3A_559 : vector<16xi32>
    tpu.vector_store_idx %arg7[%get3A_554, %add3A_557], %broadcast_in_dim3A_521 masked %eq3A_560 : memref<200x128xf32, #tpu.memory_space<vmem>>[vector<16xi32>, vector<16xi32>], vector<16xf32>, vector<16xi1>
    %get3A_561 = arith.constant 64 : index
    %get3A_562 = tpu.vector_load %arg5[%get3A_561] {strides = array<i32>} : memref<512xi32, #tpu.memory_space<vmem>>, vector<16xi32>,
    %get3A_563 = arith.constant 64 : index
    %get3A_564 = tpu.vector_load %arg6[%get3A_563] {strides = array<i32>} : memref<512xi32, #tpu.memory_space<vmem>>, vector<16xi32>,
    %add3A_565 = arith.constant 64 : i32
    %add3A_566 = vector.broadcast %add3A_565 : i32 to vector<16xi32>
    %add3A_567 = arith.addi %add3A_566, %iota3A : vector<16xi32>
    %eq3A_568 = arith.constant 0 : i32
    %eq3A_569 = vector.broadcast %eq3A_568 : i32 to vector<16xi32>
    %eq3A_570 = arith.cmpi eq, %get3A_562, %eq3A_569 : vector<16xi32>
    tpu.vector_store_idx %arg7[%get3A_564, %add3A_567], %broadcast_in_dim3A_521 masked %eq3A_570 : memref<200x128xf32, #tpu.memory_space<vmem>>[vector<16xi32>, vector<16xi32>], vector<16xf32>, vector<16xi1>
    %get3A_571 = arith.constant 80 : index
    %get3A_572 = tpu.vector_load %arg5[%get3A_571] {strides = array<i32>} : memref<512xi32, #tpu.memory_space<vmem>>, vector<16xi32>,
    %get3A_573 = arith.constant 80 : index
    %get3A_574 = tpu.vector_load %arg6[%get3A_573] {strides = array<i32>} : memref<512xi32, #tpu.memory_space<vmem>>, vector<16xi32>,
    %add3A_575 = arith.constant 80 : i32
    %add3A_576 = vector.broadcast %add3A_575 : i32 to vector<16xi32>
    %add3A_577 = arith.addi %add3A_576, %iota3A : vector<16xi32>
    %eq3A_578 = arith.constant 0 : i32
    %eq3A_579 = vector.broadcast %eq3A_578 : i32 to vector<16xi32>
    %eq3A_580 = arith.cmpi eq, %get3A_572, %eq3A_579 : vector<16xi32>
    tpu.vector_store_idx %arg7[%get3A_574, %add3A_577], %broadcast_in_dim3A_521 masked %eq3A_580 : memref<200x128xf32, #tpu.memory_space<vmem>>[vector<16xi32>, vector<16xi32>], vector<16xf32>, vector<16xi1>
    %get3A_581 = arith.constant 96 : index
    %get3A_582 = tpu.vector_load %arg5[%get3A_581] {strides = array<i32>} : memref<512xi32, #tpu.memory_space<vmem>>, vector<16xi32>,
    %get3A_583 = arith.constant 96 : index
    %get3A_584 = tpu.vector_load %arg6[%get3A_583] {strides = array<i32>} : memref<512xi32, #tpu.memory_space<vmem>>, vector<16xi32>,
    %add3A_585 = arith.constant 96 : i32
    %add3A_586 = vector.broadcast %add3A_585 : i32 to vector<16xi32>
    %add3A_587 = arith.addi %add3A_586, %iota3A : vector<16xi32>
    %eq3A_588 = arith.constant 0 : i32
    %eq3A_589 = vector.broadcast %eq3A_588 : i32 to vector<16xi32>
    %eq3A_590 = arith.cmpi eq, %get3A_582, %eq3A_589 : vector<16xi32>
    tpu.vector_store_idx %arg7[%get3A_584, %add3A_587], %broadcast_in_dim3A_521 masked %eq3A_590 : memref<200x128xf32, #tpu.memory_space<vmem>>[vector<16xi32>, vector<16xi32>], vector<16xf32>, vector<16xi1>
    %get3A_591 = arith.constant 112 : index
    %get3A_592 = tpu.vector_load %arg5[%get3A_591] {strides = array<i32>} : memref<512xi32, #tpu.memory_space<vmem>>, vector<16xi32>,
    %get3A_593 = arith.constant 112 : index
    %get3A_594 = tpu.vector_load %arg6[%get3A_593] {strides = array<i32>} : memref<512xi32, #tpu.memory_space<vmem>>, vector<16xi32>,
    %add3A_595 = arith.constant 112 : i32
    %add3A_596 = vector.broadcast %add3A_595 : i32 to vector<16xi32>
    %add3A_597 = arith.addi %add3A_596, %iota3A : vector<16xi32>
    %eq3A_598 = arith.constant 0 : i32
    %eq3A_599 = vector.broadcast %eq3A_598 : i32 to vector<16xi32>
    %eq3A_600 = arith.cmpi eq, %get3A_592, %eq3A_599 : vector<16xi32>
    tpu.vector_store_idx %arg7[%get3A_594, %add3A_597], %broadcast_in_dim3A_521 masked %eq3A_600 : memref<200x128xf32, #tpu.memory_space<vmem>>[vector<16xi32>, vector<16xi32>], vector<16xf32>, vector<16xi1>
    %add3A_601 = arith.constant 0 : i32
    %add3A_602 = arith.addi %mul3A_2, %add3A_601 : i32
    %dma_start3A_603 = arith.constant 0 : i32
    %dma_start3A_604 = tpu.memref_slice %arg3[%dma_start3A_603, %add3A_602] : memref<1000x16384xf32, #tpu.memory_space<hbm>> -> memref<200x128xf32, #tpu.memory_space<hbm>>
    %dma_start3A_605 = arith.constant 0 : i32
    %dma_start3A_606 = tpu.memref_slice %arg3[%dma_start3A_605, %add3A_602] : memref<1000x16384xf32, #tpu.memory_space<hbm>> -> memref<200x128xf32, #tpu.memory_space<hbm>>
    tpu.enqueue_dma source(%arg7 : memref<200x128xf32, #tpu.memory_space<vmem>>) target(%dma_start3A_606 : memref<200x128xf32, #tpu.memory_space<hbm>>) target_semaphore(%arg9 : memref<!tpu.dma_semaphore, #tpu.memory_space<semaphore_mem>>)
    %scan3A_607 = arith.constant 0 : i32
    %scan3A_608 = arith.constant 0 : i32
    %scan3A_609 = arith.constant 200 : i32
    %scan3A_610 = arith.addi %scan3A_608, %scan3A_609 : i32
    %scan3A_611 = arith.constant 1 : i32
    %scan3A_612 = scf.for %scan3A_722 = %scan3A_608 to %scan3A_610 step %scan3A_611 iter_args(%scan3A_723 = %scan3A_607) -> (i32)  : i32 {
      %swap3A_724 = arith.index_cast %scan3A_722 : i32 to index
      %swap3A_725 = arith.constant 0 : index
      %swap3A_726 = tpu.vector_load %arg8[%swap3A_724, %swap3A_725] {strides = array<i32>} : memref<200x128xf32, #tpu.memory_space<vmem>>, vector<16xf32>,
      tpu.vector_store %arg8[%swap3A_724, %swap3A_725], %broadcast_in_dim3A_4 {strides = array<i32>} : memref<200x128xf32, #tpu.memory_space<vmem>>, vector<16xf32>,
      %swap3A_727 = arith.index_cast %scan3A_722 : i32 to index
      %swap3A_728 = arith.constant 16 : index
      %swap3A_729 = tpu.vector_load %arg8[%swap3A_727, %swap3A_728] {strides = array<i32>} : memref<200x128xf32, #tpu.memory_space<vmem>>, vector<16xf32>,
      tpu.vector_store %arg8[%swap3A_727, %swap3A_728], %broadcast_in_dim3A_4 {strides = array<i32>} : memref<200x128xf32, #tpu.memory_space<vmem>>, vector<16xf32>,
      %swap3A_730 = arith.index_cast %scan3A_722 : i32 to index
      %swap3A_731 = arith.constant 32 : index
      %swap3A_732 = tpu.vector_load %arg8[%swap3A_730, %swap3A_731] {strides = array<i32>} : memref<200x128xf32, #tpu.memory_space<vmem>>, vector<16xf32>,
      tpu.vector_store %arg8[%swap3A_730, %swap3A_731], %broadcast_in_dim3A_4 {strides = array<i32>} : memref<200x128xf32, #tpu.memory_space<vmem>>, vector<16xf32>,
      %swap3A_733 = arith.index_cast %scan3A_722 : i32 to index
      %swap3A_734 = arith.constant 48 : index
      %swap3A_735 = tpu.vector_load %arg8[%swap3A_733, %swap3A_734] {strides = array<i32>} : memref<200x128xf32, #tpu.memory_space<vmem>>, vector<16xf32>,
      tpu.vector_store %arg8[%swap3A_733, %swap3A_734], %broadcast_in_dim3A_4 {strides = array<i32>} : memref<200x128xf32, #tpu.memory_space<vmem>>, vector<16xf32>,
      %swap3A_736 = arith.index_cast %scan3A_722 : i32 to index
      %swap3A_737 = arith.constant 64 : index
      %swap3A_738 = tpu.vector_load %arg8[%swap3A_736, %swap3A_737] {strides = array<i32>} : memref<200x128xf32, #tpu.memory_space<vmem>>, vector<16xf32>,
      tpu.vector_store %arg8[%swap3A_736, %swap3A_737], %broadcast_in_dim3A_4 {strides = array<i32>} : memref<200x128xf32, #tpu.memory_space<vmem>>, vector<16xf32>,
      %swap3A_739 = arith.index_cast %scan3A_722 : i32 to index
      %swap3A_740 = arith.constant 80 : index
      %swap3A_741 = tpu.vector_load %arg8[%swap3A_739, %swap3A_740] {strides = array<i32>} : memref<200x128xf32, #tpu.memory_space<vmem>>, vector<16xf32>,
      tpu.vector_store %arg8[%swap3A_739, %swap3A_740], %broadcast_in_dim3A_4 {strides = array<i32>} : memref<200x128xf32, #tpu.memory_space<vmem>>, vector<16xf32>,
      %swap3A_742 = arith.index_cast %scan3A_722 : i32 to index
      %swap3A_743 = arith.constant 96 : index
      %swap3A_744 = tpu.vector_load %arg8[%swap3A_742, %swap3A_743] {strides = array<i32>} : memref<200x128xf32, #tpu.memory_space<vmem>>, vector<16xf32>,
      tpu.vector_store %arg8[%swap3A_742, %swap3A_743], %broadcast_in_dim3A_4 {strides = array<i32>} : memref<200x128xf32, #tpu.memory_space<vmem>>, vector<16xf32>,
      %swap3A_745 = arith.index_cast %scan3A_722 : i32 to index
      %swap3A_746 = arith.constant 112 : index
      %swap3A_747 = tpu.vector_load %arg8[%swap3A_745, %swap3A_746] {strides = array<i32>} : memref<200x128xf32, #tpu.memory_space<vmem>>, vector<16xf32>,
      tpu.vector_store %arg8[%swap3A_745, %swap3A_746], %broadcast_in_dim3A_4 {strides = array<i32>} : memref<200x128xf32, #tpu.memory_space<vmem>>, vector<16xf32>,
      %scan3A_748 = arith.constant 0 : i32
      scf.yield %scan3A_748 : i32
    }
    %scan3A_613 = arith.constant 200 : i32
    %iota3A_614 = tpu.iota {dimensions = array<i32: 0>} : vector<16xi32>
    %broadcast_in_dim3A_615 = arith.constant 1.000000e+00 : f32
    %broadcast_in_dim3A_616 = vector.broadcast %broadcast_in_dim3A_615 : f32 to vector<16xf32>
    %get3A_617 = arith.constant 0 : index
    %get3A_618 = tpu.vector_load %arg5[%get3A_617] {strides = array<i32>} : memref<512xi32, #tpu.memory_space<vmem>>, vector<16xi32>,
    %get3A_619 = arith.constant 0 : index
    %get3A_620 = tpu.vector_load %arg6[%get3A_619] {strides = array<i32>} : memref<512xi32, #tpu.memory_space<vmem>>, vector<16xi32>,
    %add3A_621 = arith.constant 0 : i32
    %add3A_622 = vector.broadcast %add3A_621 : i32 to vector<16xi32>
    %add3A_623 = arith.addi %add3A_622, %iota3A_614 : vector<16xi32>
    %eq3A_624 = arith.constant 1 : i32
    %eq3A_625 = vector.broadcast %eq3A_624 : i32 to vector<16xi32>
    %eq3A_626 = arith.cmpi eq, %get3A_618, %eq3A_625 : vector<16xi32>
    tpu.vector_store_idx %arg8[%get3A_620, %add3A_623], %broadcast_in_dim3A_616 masked %eq3A_626 : memref<200x128xf32, #tpu.memory_space<vmem>>[vector<16xi32>, vector<16xi32>], vector<16xf32>, vector<16xi1>
    %get3A_627 = arith.constant 16 : index
    %get3A_628 = tpu.vector_load %arg5[%get3A_627] {strides = array<i32>} : memref<512xi32, #tpu.memory_space<vmem>>, vector<16xi32>,
    %get3A_629 = arith.constant 16 : index
    %get3A_630 = tpu.vector_load %arg6[%get3A_629] {strides = array<i32>} : memref<512xi32, #tpu.memory_space<vmem>>, vector<16xi32>,
    %add3A_631 = arith.constant 16 : i32
    %add3A_632 = vector.broadcast %add3A_631 : i32 to vector<16xi32>
    %add3A_633 = arith.addi %add3A_632, %iota3A_614 : vector<16xi32>
    %eq3A_634 = arith.constant 1 : i32
    %eq3A_635 = vector.broadcast %eq3A_634 : i32 to vector<16xi32>
    %eq3A_636 = arith.cmpi eq, %get3A_628, %eq3A_635 : vector<16xi32>
    tpu.vector_store_idx %arg8[%get3A_630, %add3A_633], %broadcast_in_dim3A_616 masked %eq3A_636 : memref<200x128xf32, #tpu.memory_space<vmem>>[vector<16xi32>, vector<16xi32>], vector<16xf32>, vector<16xi1>
    %get3A_637 = arith.constant 32 : index
    %get3A_638 = tpu.vector_load %arg5[%get3A_637] {strides = array<i32>} : memref<512xi32, #tpu.memory_space<vmem>>, vector<16xi32>,
    %get3A_639 = arith.constant 32 : index
    %get3A_640 = tpu.vector_load %arg6[%get3A_639] {strides = array<i32>} : memref<512xi32, #tpu.memory_space<vmem>>, vector<16xi32>,
    %add3A_641 = arith.constant 32 : i32
    %add3A_642 = vector.broadcast %add3A_641 : i32 to vector<16xi32>
    %add3A_643 = arith.addi %add3A_642, %iota3A_614 : vector<16xi32>
    %eq3A_644 = arith.constant 1 : i32
    %eq3A_645 = vector.broadcast %eq3A_644 : i32 to vector<16xi32>
    %eq3A_646 = arith.cmpi eq, %get3A_638, %eq3A_645 : vector<16xi32>
    tpu.vector_store_idx %arg8[%get3A_640, %add3A_643], %broadcast_in_dim3A_616 masked %eq3A_646 : memref<200x128xf32, #tpu.memory_space<vmem>>[vector<16xi32>, vector<16xi32>], vector<16xf32>, vector<16xi1>
    %get3A_647 = arith.constant 48 : index
    %get3A_648 = tpu.vector_load %arg5[%get3A_647] {strides = array<i32>} : memref<512xi32, #tpu.memory_space<vmem>>, vector<16xi32>,
    %get3A_649 = arith.constant 48 : index
    %get3A_650 = tpu.vector_load %arg6[%get3A_649] {strides = array<i32>} : memref<512xi32, #tpu.memory_space<vmem>>, vector<16xi32>,
    %add3A_651 = arith.constant 48 : i32
    %add3A_652 = vector.broadcast %add3A_651 : i32 to vector<16xi32>
    %add3A_653 = arith.addi %add3A_652, %iota3A_614 : vector<16xi32>
    %eq3A_654 = arith.constant 1 : i32
    %eq3A_655 = vector.broadcast %eq3A_654 : i32 to vector<16xi32>
    %eq3A_656 = arith.cmpi eq, %get3A_648, %eq3A_655 : vector<16xi32>
    tpu.vector_store_idx %arg8[%get3A_650, %add3A_653], %broadcast_in_dim3A_616 masked %eq3A_656 : memref<200x128xf32, #tpu.memory_space<vmem>>[vector<16xi32>, vector<16xi32>], vector<16xf32>, vector<16xi1>
    %get3A_657 = arith.constant 64 : index
    %get3A_658 = tpu.vector_load %arg5[%get3A_657] {strides = array<i32>} : memref<512xi32, #tpu.memory_space<vmem>>, vector<16xi32>,
    %get3A_659 = arith.constant 64 : index
    %get3A_660 = tpu.vector_load %arg6[%get3A_659] {strides = array<i32>} : memref<512xi32, #tpu.memory_space<vmem>>, vector<16xi32>,
    %add3A_661 = arith.constant 64 : i32
    %add3A_662 = vector.broadcast %add3A_661 : i32 to vector<16xi32>
    %add3A_663 = arith.addi %add3A_662, %iota3A_614 : vector<16xi32>
    %eq3A_664 = arith.constant 1 : i32
    %eq3A_665 = vector.broadcast %eq3A_664 : i32 to vector<16xi32>
    %eq3A_666 = arith.cmpi eq, %get3A_658, %eq3A_665 : vector<16xi32>
    tpu.vector_store_idx %arg8[%get3A_660, %add3A_663], %broadcast_in_dim3A_616 masked %eq3A_666 : memref<200x128xf32, #tpu.memory_space<vmem>>[vector<16xi32>, vector<16xi32>], vector<16xf32>, vector<16xi1>
    %get3A_667 = arith.constant 80 : index
    %get3A_668 = tpu.vector_load %arg5[%get3A_667] {strides = array<i32>} : memref<512xi32, #tpu.memory_space<vmem>>, vector<16xi32>,
    %get3A_669 = arith.constant 80 : index
    %get3A_670 = tpu.vector_load %arg6[%get3A_669] {strides = array<i32>} : memref<512xi32, #tpu.memory_space<vmem>>, vector<16xi32>,
    %add3A_671 = arith.constant 80 : i32
    %add3A_672 = vector.broadcast %add3A_671 : i32 to vector<16xi32>
    %add3A_673 = arith.addi %add3A_672, %iota3A_614 : vector<16xi32>
    %eq3A_674 = arith.constant 1 : i32
    %eq3A_675 = vector.broadcast %eq3A_674 : i32 to vector<16xi32>
    %eq3A_676 = arith.cmpi eq, %get3A_668, %eq3A_675 : vector<16xi32>
    tpu.vector_store_idx %arg8[%get3A_670, %add3A_673], %broadcast_in_dim3A_616 masked %eq3A_676 : memref<200x128xf32, #tpu.memory_space<vmem>>[vector<16xi32>, vector<16xi32>], vector<16xf32>, vector<16xi1>
    %get3A_677 = arith.constant 96 : index
    %get3A_678 = tpu.vector_load %arg5[%get3A_677] {strides = array<i32>} : memref<512xi32, #tpu.memory_space<vmem>>, vector<16xi32>,
    %get3A_679 = arith.constant 96 : index
    %get3A_680 = tpu.vector_load %arg6[%get3A_679] {strides = array<i32>} : memref<512xi32, #tpu.memory_space<vmem>>, vector<16xi32>,
    %add3A_681 = arith.constant 96 : i32
    %add3A_682 = vector.broadcast %add3A_681 : i32 to vector<16xi32>
    %add3A_683 = arith.addi %add3A_682, %iota3A_614 : vector<16xi32>
    %eq3A_684 = arith.constant 1 : i32
    %eq3A_685 = vector.broadcast %eq3A_684 : i32 to vector<16xi32>
    %eq3A_686 = arith.cmpi eq, %get3A_678, %eq3A_685 : vector<16xi32>
    tpu.vector_store_idx %arg8[%get3A_680, %add3A_683], %broadcast_in_dim3A_616 masked %eq3A_686 : memref<200x128xf32, #tpu.memory_space<vmem>>[vector<16xi32>, vector<16xi32>], vector<16xf32>, vector<16xi1>
    %get3A_687 = arith.constant 112 : index
    %get3A_688 = tpu.vector_load %arg5[%get3A_687] {strides = array<i32>} : memref<512xi32, #tpu.memory_space<vmem>>, vector<16xi32>,
    %get3A_689 = arith.constant 112 : index
    %get3A_690 = tpu.vector_load %arg6[%get3A_689] {strides = array<i32>} : memref<512xi32, #tpu.memory_space<vmem>>, vector<16xi32>,
    %add3A_691 = arith.constant 112 : i32
    %add3A_692 = vector.broadcast %add3A_691 : i32 to vector<16xi32>
    %add3A_693 = arith.addi %add3A_692, %iota3A_614 : vector<16xi32>
    %eq3A_694 = arith.constant 1 : i32
    %eq3A_695 = vector.broadcast %eq3A_694 : i32 to vector<16xi32>
    %eq3A_696 = arith.cmpi eq, %get3A_688, %eq3A_695 : vector<16xi32>
    tpu.vector_store_idx %arg8[%get3A_690, %add3A_693], %broadcast_in_dim3A_616 masked %eq3A_696 : memref<200x128xf32, #tpu.memory_space<vmem>>[vector<16xi32>, vector<16xi32>], vector<16xf32>, vector<16xi1>
    %add3A_697 = arith.constant 0 : i32
    %add3A_698 = arith.addi %mul3A_2, %add3A_697 : i32
    %dma_start3A_699 = arith.constant 200 : i32
    %dma_start3A_700 = tpu.memref_slice %arg3[%dma_start3A_699, %add3A_698] : memref<1000x16384xf32, #tpu.memory_space<hbm>> -> memref<200x128xf32, #tpu.memory_space<hbm>>
    %dma_start3A_701 = arith.constant 200 : i32
    %dma_start3A_702 = tpu.memref_slice %arg3[%dma_start3A_701, %add3A_698] : memref<1000x16384xf32, #tpu.memory_space<hbm>> -> memref<200x128xf32, #tpu.memory_space<hbm>>
    tpu.enqueue_dma source(%arg8 : memref<200x128xf32, #tpu.memory_space<vmem>>) target(%dma_start3A_702 : memref<200x128xf32, #tpu.memory_space<hbm>>) target_semaphore(%arg10 : memref<!tpu.dma_semaphore, #tpu.memory_space<semaphore_mem>>)
    %scan3A_703 = arith.constant 0 : i32
    %scan3A_704 = arith.constant 0 : i32
    %scan3A_705 = arith.constant 9 : i32
    %scan3A_706 = arith.addi %scan3A_704, %scan3A_705 : i32
    %scan3A_707 = arith.constant 1 : i32
    %scan3A_708 = scf.for %scan3A_722 = %scan3A_704 to %scan3A_706 step %scan3A_707 iter_args(%scan3A_723 = %scan3A_703) -> (i32)  : i32 {
      %mul3A_724 = arith.constant 2 : i32
      %mul3A_725 = arith.muli %mul3A_724, %scan3A_722 : i32
      %add3A_726 = arith.constant 2 : i32
      %add3A_727 = arith.addi %add3A_726, %mul3A_725 : i32
      %add3A_728 = arith.constant 0 : i32
      %add3A_729 = arith.addi %add3A_727, %add3A_728 : i32
      %jit3A = arith.constant 5 : i32
      %div3A = arith.divsi %add3A_729, %jit3A : i32
      %sign3A = arith.constant 0 : i32
      %sign3A_730 = arith.cmpi sgt, %add3A_729, %sign3A : i32
      %sign3A_731 = arith.extui %sign3A_730 : i1 to i32
      %sign3A_732 = arith.constant 0 : i32
      %sign3A_733 = arith.cmpi slt, %add3A_729, %sign3A_732 : i32
      %sign3A_734 = arith.extui %sign3A_733 : i1 to i32
      %sign3A_735 = arith.subi %sign3A_731, %sign3A_734 : i32
      %sign3A_736 = arith.constant 0 : i32
      %sign3A_737 = arith.cmpi sgt, %jit3A, %sign3A_736 : i32
      %sign3A_738 = arith.extui %sign3A_737 : i1 to i32
      %sign3A_739 = arith.constant 0 : i32
      %sign3A_740 = arith.cmpi slt, %jit3A, %sign3A_739 : i32
      %sign3A_741 = arith.extui %sign3A_740 : i1 to i32
      %sign3A_742 = arith.subi %sign3A_738, %sign3A_741 : i32
      %ne3A = arith.cmpi ne, %sign3A_735, %sign3A_742 : i32
      %rem3A = arith.remsi %add3A_729, %jit3A : i32
      %ne3A_743 = arith.constant 0 : i32
      %ne3A_744 = arith.cmpi ne, %rem3A, %ne3A_743 : i32
      %and3A = arith.andi %ne3A, %ne3A_744 : i1
      %sub3A_745 = arith.constant 1 : i32
      %sub3A_746 = arith.subi %div3A, %sub3A_745 : i32
      %select_n3A = arith.select %and3A, %sub3A_746, %div3A : i32
      %jit3A_747 = arith.constant 5 : i32
      %eq3A_748 = arith.constant 0 : i32
      %eq3A_749 = arith.cmpi eq, %jit3A_747, %eq3A_748 : i32
      %jit3A_750 = arith.constant 1 : i32
      %select_n3A_751 = arith.select %eq3A_749, %jit3A_750, %jit3A_747 : i32
      %rem3A_752 = arith.remsi %add3A_729, %select_n3A_751 : i32
      %ne3A_753 = arith.constant 0 : i32
      %ne3A_754 = arith.cmpi ne, %rem3A_752, %ne3A_753 : i32
      %lt3A = arith.constant 0 : i32
      %lt3A_755 = arith.cmpi slt, %rem3A_752, %lt3A : i32
      %lt3A_756 = arith.constant 0 : i32
      %lt3A_757 = arith.cmpi slt, %select_n3A_751, %lt3A_756 : i32
      %ne3A_758 = arith.xori %lt3A_755, %lt3A_757 : i1
      %and3A_759 = arith.andi %ne3A_758, %ne3A_754 : i1
      %add3A_760 = arith.addi %rem3A_752, %select_n3A_751 : i32
      %select_n3A_761 = arith.select %and3A_759, %add3A_760, %rem3A_752 : i32
      %sub3A_762 = arith.constant 2 : i32
      %sub3A_763 = arith.subi %add3A_729, %sub3A_762 : i32
      %jit3A_764 = arith.constant 5 : i32
      %div3A_765 = arith.divsi %sub3A_763, %jit3A_764 : i32
      %sign3A_766 = arith.constant 0 : i32
      %sign3A_767 = arith.cmpi sgt, %sub3A_763, %sign3A_766 : i32
      %sign3A_768 = arith.extui %sign3A_767 : i1 to i32
      %sign3A_769 = arith.constant 0 : i32
      %sign3A_770 = arith.cmpi slt, %sub3A_763, %sign3A_769 : i32
      %sign3A_771 = arith.extui %sign3A_770 : i1 to i32
      %sign3A_772 = arith.subi %sign3A_768, %sign3A_771 : i32
      %sign3A_773 = arith.constant 0 : i32
      %sign3A_774 = arith.cmpi sgt, %jit3A_764, %sign3A_773 : i32
      %sign3A_775 = arith.extui %sign3A_774 : i1 to i32
      %sign3A_776 = arith.constant 0 : i32
      %sign3A_777 = arith.cmpi slt, %jit3A_764, %sign3A_776 : i32
      %sign3A_778 = arith.extui %sign3A_777 : i1 to i32
      %sign3A_779 = arith.subi %sign3A_775, %sign3A_778 : i32
      %ne3A_780 = arith.cmpi ne, %sign3A_772, %sign3A_779 : i32
      %rem3A_781 = arith.remsi %sub3A_763, %jit3A_764 : i32
      %ne3A_782 = arith.constant 0 : i32
      %ne3A_783 = arith.cmpi ne, %rem3A_781, %ne3A_782 : i32
      %and3A_784 = arith.andi %ne3A_780, %ne3A_783 : i1
      %sub3A_785 = arith.constant 1 : i32
      %sub3A_786 = arith.subi %div3A_765, %sub3A_785 : i32
      %select_n3A_787 = arith.select %and3A_784, %sub3A_786, %div3A_765 : i32
      %sub3A_788 = arith.constant 2 : i32
      %sub3A_789 = arith.subi %add3A_729, %sub3A_788 : i32
      %jit3A_790 = arith.constant 5 : i32
      %eq3A_791 = arith.constant 0 : i32
      %eq3A_792 = arith.cmpi eq, %jit3A_790, %eq3A_791 : i32
      %jit3A_793 = arith.constant 1 : i32
      %select_n3A_794 = arith.select %eq3A_792, %jit3A_793, %jit3A_790 : i32
      %rem3A_795 = arith.remsi %sub3A_789, %select_n3A_794 : i32
      %ne3A_796 = arith.constant 0 : i32
      %ne3A_797 = arith.cmpi ne, %rem3A_795, %ne3A_796 : i32
      %lt3A_798 = arith.constant 0 : i32
      %lt3A_799 = arith.cmpi slt, %rem3A_795, %lt3A_798 : i32
      %lt3A_800 = arith.constant 0 : i32
      %lt3A_801 = arith.cmpi slt, %select_n3A_794, %lt3A_800 : i32
      %ne3A_802 = arith.xori %lt3A_799, %lt3A_801 : i1
      %and3A_803 = arith.andi %ne3A_802, %ne3A_797 : i1
      %add3A_804 = arith.addi %rem3A_795, %select_n3A_794 : i32
      %select_n3A_805 = arith.select %and3A_803, %add3A_804, %rem3A_795 : i32
      %mul3A_806 = arith.constant 200 : i32
      %mul3A_807 = arith.muli %select_n3A_805, %mul3A_806 : i32
      %mul3A_808 = arith.constant 128 : i32
      %mul3A_809 = arith.muli %select_n3A_787, %mul3A_808 : i32
      %add3A_810 = arith.addi %mul3A_2, %mul3A_809 : i32
      %dma_wait3A_811 = tpu.memref_slice %arg3[%mul3A_807, %add3A_810] : memref<1000x16384xf32, #tpu.memory_space<hbm>> -> memref<200x128xf32, #tpu.memory_space<hbm>>
      %dma_wait3A_812 = tpu.memref_slice %arg3[%mul3A_807, %add3A_810] : memref<1000x16384xf32, #tpu.memory_space<hbm>> -> memref<200x128xf32, #tpu.memory_space<hbm>>
      tpu.wait_dma2 semaphore(%arg9 : memref<!tpu.dma_semaphore, #tpu.memory_space<semaphore_mem>>) src(%arg7 : memref<200x128xf32, #tpu.memory_space<vmem>>) dst(%dma_wait3A_812 : memref<200x128xf32, #tpu.memory_space<hbm>>)
      %iota3A_813 = tpu.iota {dimensions = array<i32: 0>} : vector<16xi32>
      %broadcast_in_dim3A_814 = arith.constant 0.000000e+00 : f32
      %broadcast_in_dim3A_815 = vector.broadcast %broadcast_in_dim3A_814 : f32 to vector<16xf32>
      %mul3A_816 = arith.constant 128 : i32
      %mul3A_817 = arith.muli %select_n3A_787, %mul3A_816 : i32
      %add3A_818 = arith.constant 0 : i32
      %add3A_819 = arith.addi %mul3A_817, %add3A_818 : i32
      %get3A_820 = arith.index_cast %add3A_819 : i32 to index
      %get3A_821 = tpu.vector_load %arg5[%get3A_820] {strides = array<i32>} : memref<512xi32, #tpu.memory_space<vmem>>, vector<16xi32>,
      %add3A_822 = arith.constant 0 : i32
      %add3A_823 = arith.addi %mul3A_817, %add3A_822 : i32
      %get3A_824 = arith.index_cast %add3A_823 : i32 to index
      %get3A_825 = tpu.vector_load %arg6[%get3A_824] {strides = array<i32>} : memref<512xi32, #tpu.memory_space<vmem>>, vector<16xi32>,
      %add3A_826 = arith.constant 0 : i32
      %add3A_827 = vector.broadcast %add3A_826 : i32 to vector<16xi32>
      %add3A_828 = arith.addi %add3A_827, %iota3A_813 : vector<16xi32>
      %eq3A_829 = vector.broadcast %select_n3A_805 : i32 to vector<16xi32>
      %eq3A_830 = arith.cmpi eq, %get3A_821, %eq3A_829 : vector<16xi32>
      tpu.vector_store_idx %arg7[%get3A_825, %add3A_828], %broadcast_in_dim3A_815 masked %eq3A_830 : memref<200x128xf32, #tpu.memory_space<vmem>>[vector<16xi32>, vector<16xi32>], vector<16xf32>, vector<16xi1>
      %add3A_831 = arith.constant 16 : i32
      %add3A_832 = arith.addi %mul3A_817, %add3A_831 : i32
      %get3A_833 = arith.index_cast %add3A_832 : i32 to index
      %get3A_834 = tpu.vector_load %arg5[%get3A_833] {strides = array<i32>} : memref<512xi32, #tpu.memory_space<vmem>>, vector<16xi32>,
      %add3A_835 = arith.constant 16 : i32
      %add3A_836 = arith.addi %mul3A_817, %add3A_835 : i32
      %get3A_837 = arith.index_cast %add3A_836 : i32 to index
      %get3A_838 = tpu.vector_load %arg6[%get3A_837] {strides = array<i32>} : memref<512xi32, #tpu.memory_space<vmem>>, vector<16xi32>,
      %add3A_839 = arith.constant 16 : i32
      %add3A_840 = vector.broadcast %add3A_839 : i32 to vector<16xi32>
      %add3A_841 = arith.addi %add3A_840, %iota3A_813 : vector<16xi32>
      %eq3A_842 = vector.broadcast %select_n3A_805 : i32 to vector<16xi32>
      %eq3A_843 = arith.cmpi eq, %get3A_834, %eq3A_842 : vector<16xi32>
      tpu.vector_store_idx %arg7[%get3A_838, %add3A_841], %broadcast_in_dim3A_815 masked %eq3A_843 : memref<200x128xf32, #tpu.memory_space<vmem>>[vector<16xi32>, vector<16xi32>], vector<16xf32>, vector<16xi1>
      %add3A_844 = arith.constant 32 : i32
      %add3A_845 = arith.addi %mul3A_817, %add3A_844 : i32
      %get3A_846 = arith.index_cast %add3A_845 : i32 to index
      %get3A_847 = tpu.vector_load %arg5[%get3A_846] {strides = array<i32>} : memref<512xi32, #tpu.memory_space<vmem>>, vector<16xi32>,
      %add3A_848 = arith.constant 32 : i32
      %add3A_849 = arith.addi %mul3A_817, %add3A_848 : i32
      %get3A_850 = arith.index_cast %add3A_849 : i32 to index
      %get3A_851 = tpu.vector_load %arg6[%get3A_850] {strides = array<i32>} : memref<512xi32, #tpu.memory_space<vmem>>, vector<16xi32>,
      %add3A_852 = arith.constant 32 : i32
      %add3A_853 = vector.broadcast %add3A_852 : i32 to vector<16xi32>
      %add3A_854 = arith.addi %add3A_853, %iota3A_813 : vector<16xi32>
      %eq3A_855 = vector.broadcast %select_n3A_805 : i32 to vector<16xi32>
      %eq3A_856 = arith.cmpi eq, %get3A_847, %eq3A_855 : vector<16xi32>
      tpu.vector_store_idx %arg7[%get3A_851, %add3A_854], %broadcast_in_dim3A_815 masked %eq3A_856 : memref<200x128xf32, #tpu.memory_space<vmem>>[vector<16xi32>, vector<16xi32>], vector<16xf32>, vector<16xi1>
      %add3A_857 = arith.constant 48 : i32
      %add3A_858 = arith.addi %mul3A_817, %add3A_857 : i32
      %get3A_859 = arith.index_cast %add3A_858 : i32 to index
      %get3A_860 = tpu.vector_load %arg5[%get3A_859] {strides = array<i32>} : memref<512xi32, #tpu.memory_space<vmem>>, vector<16xi32>,
      %add3A_861 = arith.constant 48 : i32
      %add3A_862 = arith.addi %mul3A_817, %add3A_861 : i32
      %get3A_863 = arith.index_cast %add3A_862 : i32 to index
      %get3A_864 = tpu.vector_load %arg6[%get3A_863] {strides = array<i32>} : memref<512xi32, #tpu.memory_space<vmem>>, vector<16xi32>,
      %add3A_865 = arith.constant 48 : i32
      %add3A_866 = vector.broadcast %add3A_865 : i32 to vector<16xi32>
      %add3A_867 = arith.addi %add3A_866, %iota3A_813 : vector<16xi32>
      %eq3A_868 = vector.broadcast %select_n3A_805 : i32 to vector<16xi32>
      %eq3A_869 = arith.cmpi eq, %get3A_860, %eq3A_868 : vector<16xi32>
      tpu.vector_store_idx %arg7[%get3A_864, %add3A_867], %broadcast_in_dim3A_815 masked %eq3A_869 : memref<200x128xf32, #tpu.memory_space<vmem>>[vector<16xi32>, vector<16xi32>], vector<16xf32>, vector<16xi1>
      %add3A_870 = arith.constant 64 : i32
      %add3A_871 = arith.addi %mul3A_817, %add3A_870 : i32
      %get3A_872 = arith.index_cast %add3A_871 : i32 to index
      %get3A_873 = tpu.vector_load %arg5[%get3A_872] {strides = array<i32>} : memref<512xi32, #tpu.memory_space<vmem>>, vector<16xi32>,
      %add3A_874 = arith.constant 64 : i32
      %add3A_875 = arith.addi %mul3A_817, %add3A_874 : i32
      %get3A_876 = arith.index_cast %add3A_875 : i32 to index
      %get3A_877 = tpu.vector_load %arg6[%get3A_876] {strides = array<i32>} : memref<512xi32, #tpu.memory_space<vmem>>, vector<16xi32>,
      %add3A_878 = arith.constant 64 : i32
      %add3A_879 = vector.broadcast %add3A_878 : i32 to vector<16xi32>
      %add3A_880 = arith.addi %add3A_879, %iota3A_813 : vector<16xi32>
      %eq3A_881 = vector.broadcast %select_n3A_805 : i32 to vector<16xi32>
      %eq3A_882 = arith.cmpi eq, %get3A_873, %eq3A_881 : vector<16xi32>
      tpu.vector_store_idx %arg7[%get3A_877, %add3A_880], %broadcast_in_dim3A_815 masked %eq3A_882 : memref<200x128xf32, #tpu.memory_space<vmem>>[vector<16xi32>, vector<16xi32>], vector<16xf32>, vector<16xi1>
      %add3A_883 = arith.constant 80 : i32
      %add3A_884 = arith.addi %mul3A_817, %add3A_883 : i32
      %get3A_885 = arith.index_cast %add3A_884 : i32 to index
      %get3A_886 = tpu.vector_load %arg5[%get3A_885] {strides = array<i32>} : memref<512xi32, #tpu.memory_space<vmem>>, vector<16xi32>,
      %add3A_887 = arith.constant 80 : i32
      %add3A_888 = arith.addi %mul3A_817, %add3A_887 : i32
      %get3A_889 = arith.index_cast %add3A_888 : i32 to index
      %get3A_890 = tpu.vector_load %arg6[%get3A_889] {strides = array<i32>} : memref<512xi32, #tpu.memory_space<vmem>>, vector<16xi32>,
      %add3A_891 = arith.constant 80 : i32
      %add3A_892 = vector.broadcast %add3A_891 : i32 to vector<16xi32>
      %add3A_893 = arith.addi %add3A_892, %iota3A_813 : vector<16xi32>
      %eq3A_894 = vector.broadcast %select_n3A_805 : i32 to vector<16xi32>
      %eq3A_895 = arith.cmpi eq, %get3A_886, %eq3A_894 : vector<16xi32>
      tpu.vector_store_idx %arg7[%get3A_890, %add3A_893], %broadcast_in_dim3A_815 masked %eq3A_895 : memref<200x128xf32, #tpu.memory_space<vmem>>[vector<16xi32>, vector<16xi32>], vector<16xf32>, vector<16xi1>
      %add3A_896 = arith.constant 96 : i32
      %add3A_897 = arith.addi %mul3A_817, %add3A_896 : i32
      %get3A_898 = arith.index_cast %add3A_897 : i32 to index
      %get3A_899 = tpu.vector_load %arg5[%get3A_898] {strides = array<i32>} : memref<512xi32, #tpu.memory_space<vmem>>, vector<16xi32>,
      %add3A_900 = arith.constant 96 : i32
      %add3A_901 = arith.addi %mul3A_817, %add3A_900 : i32
      %get3A_902 = arith.index_cast %add3A_901 : i32 to index
      %get3A_903 = tpu.vector_load %arg6[%get3A_902] {strides = array<i32>} : memref<512xi32, #tpu.memory_space<vmem>>, vector<16xi32>,
      %add3A_904 = arith.constant 96 : i32
      %add3A_905 = vector.broadcast %add3A_904 : i32 to vector<16xi32>
      %add3A_906 = arith.addi %add3A_905, %iota3A_813 : vector<16xi32>
      %eq3A_907 = vector.broadcast %select_n3A_805 : i32 to vector<16xi32>
      %eq3A_908 = arith.cmpi eq, %get3A_899, %eq3A_907 : vector<16xi32>
      tpu.vector_store_idx %arg7[%get3A_903, %add3A_906], %broadcast_in_dim3A_815 masked %eq3A_908 : memref<200x128xf32, #tpu.memory_space<vmem>>[vector<16xi32>, vector<16xi32>], vector<16xf32>, vector<16xi1>
      %add3A_909 = arith.constant 112 : i32
      %add3A_910 = arith.addi %mul3A_817, %add3A_909 : i32
      %get3A_911 = arith.index_cast %add3A_910 : i32 to index
      %get3A_912 = tpu.vector_load %arg5[%get3A_911] {strides = array<i32>} : memref<512xi32, #tpu.memory_space<vmem>>, vector<16xi32>,
      %add3A_913 = arith.constant 112 : i32
      %add3A_914 = arith.addi %mul3A_817, %add3A_913 : i32
      %get3A_915 = arith.index_cast %add3A_914 : i32 to index
      %get3A_916 = tpu.vector_load %arg6[%get3A_915] {strides = array<i32>} : memref<512xi32, #tpu.memory_space<vmem>>, vector<16xi32>,
      %add3A_917 = arith.constant 112 : i32
      %add3A_918 = vector.broadcast %add3A_917 : i32 to vector<16xi32>
      %add3A_919 = arith.addi %add3A_918, %iota3A_813 : vector<16xi32>
      %eq3A_920 = vector.broadcast %select_n3A_805 : i32 to vector<16xi32>
      %eq3A_921 = arith.cmpi eq, %get3A_912, %eq3A_920 : vector<16xi32>
      tpu.vector_store_idx %arg7[%get3A_916, %add3A_919], %broadcast_in_dim3A_815 masked %eq3A_921 : memref<200x128xf32, #tpu.memory_space<vmem>>[vector<16xi32>, vector<16xi32>], vector<16xf32>, vector<16xi1>
      %iota3A_922 = tpu.iota {dimensions = array<i32: 0>} : vector<16xi32>
      %broadcast_in_dim3A_923 = arith.constant 1.000000e+00 : f32
      %broadcast_in_dim3A_924 = vector.broadcast %broadcast_in_dim3A_923 : f32 to vector<16xf32>
      %mul3A_925 = arith.constant 128 : i32
      %mul3A_926 = arith.muli %select_n3A, %mul3A_925 : i32
      %add3A_927 = arith.constant 0 : i32
      %add3A_928 = arith.addi %mul3A_926, %add3A_927 : i32
      %get3A_929 = arith.index_cast %add3A_928 : i32 to index
      %get3A_930 = tpu.vector_load %arg5[%get3A_929] {strides = array<i32>} : memref<512xi32, #tpu.memory_space<vmem>>, vector<16xi32>,
      %add3A_931 = arith.constant 0 : i32
      %add3A_932 = arith.addi %mul3A_926, %add3A_931 : i32
      %get3A_933 = arith.index_cast %add3A_932 : i32 to index
      %get3A_934 = tpu.vector_load %arg6[%get3A_933] {strides = array<i32>} : memref<512xi32, #tpu.memory_space<vmem>>, vector<16xi32>,
      %add3A_935 = arith.constant 0 : i32
      %add3A_936 = vector.broadcast %add3A_935 : i32 to vector<16xi32>
      %add3A_937 = arith.addi %add3A_936, %iota3A_922 : vector<16xi32>
      %eq3A_938 = vector.broadcast %select_n3A_761 : i32 to vector<16xi32>
      %eq3A_939 = arith.cmpi eq, %get3A_930, %eq3A_938 : vector<16xi32>
      tpu.vector_store_idx %arg7[%get3A_934, %add3A_937], %broadcast_in_dim3A_924 masked %eq3A_939 : memref<200x128xf32, #tpu.memory_space<vmem>>[vector<16xi32>, vector<16xi32>], vector<16xf32>, vector<16xi1>
      %add3A_940 = arith.constant 16 : i32
      %add3A_941 = arith.addi %mul3A_926, %add3A_940 : i32
      %get3A_942 = arith.index_cast %add3A_941 : i32 to index
      %get3A_943 = tpu.vector_load %arg5[%get3A_942] {strides = array<i32>} : memref<512xi32, #tpu.memory_space<vmem>>, vector<16xi32>,
      %add3A_944 = arith.constant 16 : i32
      %add3A_945 = arith.addi %mul3A_926, %add3A_944 : i32
      %get3A_946 = arith.index_cast %add3A_945 : i32 to index
      %get3A_947 = tpu.vector_load %arg6[%get3A_946] {strides = array<i32>} : memref<512xi32, #tpu.memory_space<vmem>>, vector<16xi32>,
      %add3A_948 = arith.constant 16 : i32
      %add3A_949 = vector.broadcast %add3A_948 : i32 to vector<16xi32>
      %add3A_950 = arith.addi %add3A_949, %iota3A_922 : vector<16xi32>
      %eq3A_951 = vector.broadcast %select_n3A_761 : i32 to vector<16xi32>
      %eq3A_952 = arith.cmpi eq, %get3A_943, %eq3A_951 : vector<16xi32>
      tpu.vector_store_idx %arg7[%get3A_947, %add3A_950], %broadcast_in_dim3A_924 masked %eq3A_952 : memref<200x128xf32, #tpu.memory_space<vmem>>[vector<16xi32>, vector<16xi32>], vector<16xf32>, vector<16xi1>
      %add3A_953 = arith.constant 32 : i32
      %add3A_954 = arith.addi %mul3A_926, %add3A_953 : i32
      %get3A_955 = arith.index_cast %add3A_954 : i32 to index
      %get3A_956 = tpu.vector_load %arg5[%get3A_955] {strides = array<i32>} : memref<512xi32, #tpu.memory_space<vmem>>, vector<16xi32>,
      %add3A_957 = arith.constant 32 : i32
      %add3A_958 = arith.addi %mul3A_926, %add3A_957 : i32
      %get3A_959 = arith.index_cast %add3A_958 : i32 to index
      %get3A_960 = tpu.vector_load %arg6[%get3A_959] {strides = array<i32>} : memref<512xi32, #tpu.memory_space<vmem>>, vector<16xi32>,
      %add3A_961 = arith.constant 32 : i32
      %add3A_962 = vector.broadcast %add3A_961 : i32 to vector<16xi32>
      %add3A_963 = arith.addi %add3A_962, %iota3A_922 : vector<16xi32>
      %eq3A_964 = vector.broadcast %select_n3A_761 : i32 to vector<16xi32>
      %eq3A_965 = arith.cmpi eq, %get3A_956, %eq3A_964 : vector<16xi32>
      tpu.vector_store_idx %arg7[%get3A_960, %add3A_963], %broadcast_in_dim3A_924 masked %eq3A_965 : memref<200x128xf32, #tpu.memory_space<vmem>>[vector<16xi32>, vector<16xi32>], vector<16xf32>, vector<16xi1>
      %add3A_966 = arith.constant 48 : i32
      %add3A_967 = arith.addi %mul3A_926, %add3A_966 : i32
      %get3A_968 = arith.index_cast %add3A_967 : i32 to index
      %get3A_969 = tpu.vector_load %arg5[%get3A_968] {strides = array<i32>} : memref<512xi32, #tpu.memory_space<vmem>>, vector<16xi32>,
      %add3A_970 = arith.constant 48 : i32
      %add3A_971 = arith.addi %mul3A_926, %add3A_970 : i32
      %get3A_972 = arith.index_cast %add3A_971 : i32 to index
      %get3A_973 = tpu.vector_load %arg6[%get3A_972] {strides = array<i32>} : memref<512xi32, #tpu.memory_space<vmem>>, vector<16xi32>,
      %add3A_974 = arith.constant 48 : i32
      %add3A_975 = vector.broadcast %add3A_974 : i32 to vector<16xi32>
      %add3A_976 = arith.addi %add3A_975, %iota3A_922 : vector<16xi32>
      %eq3A_977 = vector.broadcast %select_n3A_761 : i32 to vector<16xi32>
      %eq3A_978 = arith.cmpi eq, %get3A_969, %eq3A_977 : vector<16xi32>
      tpu.vector_store_idx %arg7[%get3A_973, %add3A_976], %broadcast_in_dim3A_924 masked %eq3A_978 : memref<200x128xf32, #tpu.memory_space<vmem>>[vector<16xi32>, vector<16xi32>], vector<16xf32>, vector<16xi1>
      %add3A_979 = arith.constant 64 : i32
      %add3A_980 = arith.addi %mul3A_926, %add3A_979 : i32
      %get3A_981 = arith.index_cast %add3A_980 : i32 to index
      %get3A_982 = tpu.vector_load %arg5[%get3A_981] {strides = array<i32>} : memref<512xi32, #tpu.memory_space<vmem>>, vector<16xi32>,
      %add3A_983 = arith.constant 64 : i32
      %add3A_984 = arith.addi %mul3A_926, %add3A_983 : i32
      %get3A_985 = arith.index_cast %add3A_984 : i32 to index
      %get3A_986 = tpu.vector_load %arg6[%get3A_985] {strides = array<i32>} : memref<512xi32, #tpu.memory_space<vmem>>, vector<16xi32>,
      %add3A_987 = arith.constant 64 : i32
      %add3A_988 = vector.broadcast %add3A_987 : i32 to vector<16xi32>
      %add3A_989 = arith.addi %add3A_988, %iota3A_922 : vector<16xi32>
      %eq3A_990 = vector.broadcast %select_n3A_761 : i32 to vector<16xi32>
      %eq3A_991 = arith.cmpi eq, %get3A_982, %eq3A_990 : vector<16xi32>
      tpu.vector_store_idx %arg7[%get3A_986, %add3A_989], %broadcast_in_dim3A_924 masked %eq3A_991 : memref<200x128xf32, #tpu.memory_space<vmem>>[vector<16xi32>, vector<16xi32>], vector<16xf32>, vector<16xi1>
      %add3A_992 = arith.constant 80 : i32
      %add3A_993 = arith.addi %mul3A_926, %add3A_992 : i32
      %get3A_994 = arith.index_cast %add3A_993 : i32 to index
      %get3A_995 = tpu.vector_load %arg5[%get3A_994] {strides = array<i32>} : memref<512xi32, #tpu.memory_space<vmem>>, vector<16xi32>,
      %add3A_996 = arith.constant 80 : i32
      %add3A_997 = arith.addi %mul3A_926, %add3A_996 : i32
      %get3A_998 = arith.index_cast %add3A_997 : i32 to index
      %get3A_999 = tpu.vector_load %arg6[%get3A_998] {strides = array<i32>} : memref<512xi32, #tpu.memory_space<vmem>>, vector<16xi32>,
      %add3A_1000 = arith.constant 80 : i32
      %add3A_1001 = vector.broadcast %add3A_1000 : i32 to vector<16xi32>
      %add3A_1002 = arith.addi %add3A_1001, %iota3A_922 : vector<16xi32>
      %eq3A_1003 = vector.broadcast %select_n3A_761 : i32 to vector<16xi32>
      %eq3A_1004 = arith.cmpi eq, %get3A_995, %eq3A_1003 : vector<16xi32>
      tpu.vector_store_idx %arg7[%get3A_999, %add3A_1002], %broadcast_in_dim3A_924 masked %eq3A_1004 : memref<200x128xf32, #tpu.memory_space<vmem>>[vector<16xi32>, vector<16xi32>], vector<16xf32>, vector<16xi1>
      %add3A_1005 = arith.constant 96 : i32
      %add3A_1006 = arith.addi %mul3A_926, %add3A_1005 : i32
      %get3A_1007 = arith.index_cast %add3A_1006 : i32 to index
      %get3A_1008 = tpu.vector_load %arg5[%get3A_1007] {strides = array<i32>} : memref<512xi32, #tpu.memory_space<vmem>>, vector<16xi32>,
      %add3A_1009 = arith.constant 96 : i32
      %add3A_1010 = arith.addi %mul3A_926, %add3A_1009 : i32
      %get3A_1011 = arith.index_cast %add3A_1010 : i32 to index
      %get3A_1012 = tpu.vector_load %arg6[%get3A_1011] {strides = array<i32>} : memref<512xi32, #tpu.memory_space<vmem>>, vector<16xi32>,
      %add3A_1013 = arith.constant 96 : i32
      %add3A_1014 = vector.broadcast %add3A_1013 : i32 to vector<16xi32>
      %add3A_1015 = arith.addi %add3A_1014, %iota3A_922 : vector<16xi32>
      %eq3A_1016 = vector.broadcast %select_n3A_761 : i32 to vector<16xi32>
      %eq3A_1017 = arith.cmpi eq, %get3A_1008, %eq3A_1016 : vector<16xi32>
      tpu.vector_store_idx %arg7[%get3A_1012, %add3A_1015], %broadcast_in_dim3A_924 masked %eq3A_1017 : memref<200x128xf32, #tpu.memory_space<vmem>>[vector<16xi32>, vector<16xi32>], vector<16xf32>, vector<16xi1>
      %add3A_1018 = arith.constant 112 : i32
      %add3A_1019 = arith.addi %mul3A_926, %add3A_1018 : i32
      %get3A_1020 = arith.index_cast %add3A_1019 : i32 to index
      %get3A_1021 = tpu.vector_load %arg5[%get3A_1020] {strides = array<i32>} : memref<512xi32, #tpu.memory_space<vmem>>, vector<16xi32>,
      %add3A_1022 = arith.constant 112 : i32
      %add3A_1023 = arith.addi %mul3A_926, %add3A_1022 : i32
      %get3A_1024 = arith.index_cast %add3A_1023 : i32 to index
      %get3A_1025 = tpu.vector_load %arg6[%get3A_1024] {strides = array<i32>} : memref<512xi32, #tpu.memory_space<vmem>>, vector<16xi32>,
      %add3A_1026 = arith.constant 112 : i32
      %add3A_1027 = vector.broadcast %add3A_1026 : i32 to vector<16xi32>
      %add3A_1028 = arith.addi %add3A_1027, %iota3A_922 : vector<16xi32>
      %eq3A_1029 = vector.broadcast %select_n3A_761 : i32 to vector<16xi32>
      %eq3A_1030 = arith.cmpi eq, %get3A_1021, %eq3A_1029 : vector<16xi32>
      tpu.vector_store_idx %arg7[%get3A_1025, %add3A_1028], %broadcast_in_dim3A_924 masked %eq3A_1030 : memref<200x128xf32, #tpu.memory_space<vmem>>[vector<16xi32>, vector<16xi32>], vector<16xf32>, vector<16xi1>
      %mul3A_1031 = arith.constant 200 : i32
      %mul3A_1032 = arith.muli %select_n3A_761, %mul3A_1031 : i32
      %mul3A_1033 = arith.constant 128 : i32
      %mul3A_1034 = arith.muli %select_n3A, %mul3A_1033 : i32
      %add3A_1035 = arith.addi %mul3A_2, %mul3A_1034 : i32
      %dma_start3A_1036 = tpu.memref_slice %arg3[%mul3A_1032, %add3A_1035] : memref<1000x16384xf32, #tpu.memory_space<hbm>> -> memref<200x128xf32, #tpu.memory_space<hbm>>
      %dma_start3A_1037 = tpu.memref_slice %arg3[%mul3A_1032, %add3A_1035] : memref<1000x16384xf32, #tpu.memory_space<hbm>> -> memref<200x128xf32, #tpu.memory_space<hbm>>
      tpu.enqueue_dma source(%arg7 : memref<200x128xf32, #tpu.memory_space<vmem>>) target(%dma_start3A_1037 : memref<200x128xf32, #tpu.memory_space<hbm>>) target_semaphore(%arg9 : memref<!tpu.dma_semaphore, #tpu.memory_space<semaphore_mem>>)
      %mul3A_1038 = arith.constant 2 : i32
      %mul3A_1039 = arith.muli %mul3A_1038, %scan3A_722 : i32
      %add3A_1040 = arith.constant 2 : i32
      %add3A_1041 = arith.addi %add3A_1040, %mul3A_1039 : i32
      %add3A_1042 = arith.constant 1 : i32
      %add3A_1043 = arith.addi %add3A_1041, %add3A_1042 : i32
      %jit3A_1044 = arith.constant 5 : i32
      %div3A_1045 = arith.divsi %add3A_1043, %jit3A_1044 : i32
      %sign3A_1046 = arith.constant 0 : i32
      %sign3A_1047 = arith.cmpi sgt, %add3A_1043, %sign3A_1046 : i32
      %sign3A_1048 = arith.extui %sign3A_1047 : i1 to i32
      %sign3A_1049 = arith.constant 0 : i32
      %sign3A_1050 = arith.cmpi slt, %add3A_1043, %sign3A_1049 : i32
      %sign3A_1051 = arith.extui %sign3A_1050 : i1 to i32
      %sign3A_1052 = arith.subi %sign3A_1048, %sign3A_1051 : i32
      %sign3A_1053 = arith.constant 0 : i32
      %sign3A_1054 = arith.cmpi sgt, %jit3A_1044, %sign3A_1053 : i32
      %sign3A_1055 = arith.extui %sign3A_1054 : i1 to i32
      %sign3A_1056 = arith.constant 0 : i32
      %sign3A_1057 = arith.cmpi slt, %jit3A_1044, %sign3A_1056 : i32
      %sign3A_1058 = arith.extui %sign3A_1057 : i1 to i32
      %sign3A_1059 = arith.subi %sign3A_1055, %sign3A_1058 : i32
      %ne3A_1060 = arith.cmpi ne, %sign3A_1052, %sign3A_1059 : i32
      %rem3A_1061 = arith.remsi %add3A_1043, %jit3A_1044 : i32
      %ne3A_1062 = arith.constant 0 : i32
      %ne3A_1063 = arith.cmpi ne, %rem3A_1061, %ne3A_1062 : i32
      %and3A_1064 = arith.andi %ne3A_1060, %ne3A_1063 : i1
      %sub3A_1065 = arith.constant 1 : i32
      %sub3A_1066 = arith.subi %div3A_1045, %sub3A_1065 : i32
      %select_n3A_1067 = arith.select %and3A_1064, %sub3A_1066, %div3A_1045 : i32
      %jit3A_1068 = arith.constant 5 : i32
      %eq3A_1069 = arith.constant 0 : i32
      %eq3A_1070 = arith.cmpi eq, %jit3A_1068, %eq3A_1069 : i32
      %jit3A_1071 = arith.constant 1 : i32
      %select_n3A_1072 = arith.select %eq3A_1070, %jit3A_1071, %jit3A_1068 : i32
      %rem3A_1073 = arith.remsi %add3A_1043, %select_n3A_1072 : i32
      %ne3A_1074 = arith.constant 0 : i32
      %ne3A_1075 = arith.cmpi ne, %rem3A_1073, %ne3A_1074 : i32
      %lt3A_1076 = arith.constant 0 : i32
      %lt3A_1077 = arith.cmpi slt, %rem3A_1073, %lt3A_1076 : i32
      %lt3A_1078 = arith.constant 0 : i32
      %lt3A_1079 = arith.cmpi slt, %select_n3A_1072, %lt3A_1078 : i32
      %ne3A_1080 = arith.xori %lt3A_1077, %lt3A_1079 : i1
      %and3A_1081 = arith.andi %ne3A_1080, %ne3A_1075 : i1
      %add3A_1082 = arith.addi %rem3A_1073, %select_n3A_1072 : i32
      %select_n3A_1083 = arith.select %and3A_1081, %add3A_1082, %rem3A_1073 : i32
      %sub3A_1084 = arith.constant 2 : i32
      %sub3A_1085 = arith.subi %add3A_1043, %sub3A_1084 : i32
      %jit3A_1086 = arith.constant 5 : i32
      %div3A_1087 = arith.divsi %sub3A_1085, %jit3A_1086 : i32
      %sign3A_1088 = arith.constant 0 : i32
      %sign3A_1089 = arith.cmpi sgt, %sub3A_1085, %sign3A_1088 : i32
      %sign3A_1090 = arith.extui %sign3A_1089 : i1 to i32
      %sign3A_1091 = arith.constant 0 : i32
      %sign3A_1092 = arith.cmpi slt, %sub3A_1085, %sign3A_1091 : i32
      %sign3A_1093 = arith.extui %sign3A_1092 : i1 to i32
      %sign3A_1094 = arith.subi %sign3A_1090, %sign3A_1093 : i32
      %sign3A_1095 = arith.constant 0 : i32
      %sign3A_1096 = arith.cmpi sgt, %jit3A_1086, %sign3A_1095 : i32
      %sign3A_1097 = arith.extui %sign3A_1096 : i1 to i32
      %sign3A_1098 = arith.constant 0 : i32
      %sign3A_1099 = arith.cmpi slt, %jit3A_1086, %sign3A_1098 : i32
      %sign3A_1100 = arith.extui %sign3A_1099 : i1 to i32
      %sign3A_1101 = arith.subi %sign3A_1097, %sign3A_1100 : i32
      %ne3A_1102 = arith.cmpi ne, %sign3A_1094, %sign3A_1101 : i32
      %rem3A_1103 = arith.remsi %sub3A_1085, %jit3A_1086 : i32
      %ne3A_1104 = arith.constant 0 : i32
      %ne3A_1105 = arith.cmpi ne, %rem3A_1103, %ne3A_1104 : i32
      %and3A_1106 = arith.andi %ne3A_1102, %ne3A_1105 : i1
      %sub3A_1107 = arith.constant 1 : i32
      %sub3A_1108 = arith.subi %div3A_1087, %sub3A_1107 : i32
      %select_n3A_1109 = arith.select %and3A_1106, %sub3A_1108, %div3A_1087 : i32
      %sub3A_1110 = arith.constant 2 : i32
      %sub3A_1111 = arith.subi %add3A_1043, %sub3A_1110 : i32
      %jit3A_1112 = arith.constant 5 : i32
      %eq3A_1113 = arith.constant 0 : i32
      %eq3A_1114 = arith.cmpi eq, %jit3A_1112, %eq3A_1113 : i32
      %jit3A_1115 = arith.constant 1 : i32
      %select_n3A_1116 = arith.select %eq3A_1114, %jit3A_1115, %jit3A_1112 : i32
      %rem3A_1117 = arith.remsi %sub3A_1111, %select_n3A_1116 : i32
      %ne3A_1118 = arith.constant 0 : i32
      %ne3A_1119 = arith.cmpi ne, %rem3A_1117, %ne3A_1118 : i32
      %lt3A_1120 = arith.constant 0 : i32
      %lt3A_1121 = arith.cmpi slt, %rem3A_1117, %lt3A_1120 : i32
      %lt3A_1122 = arith.constant 0 : i32
      %lt3A_1123 = arith.cmpi slt, %select_n3A_1116, %lt3A_1122 : i32
      %ne3A_1124 = arith.xori %lt3A_1121, %lt3A_1123 : i1
      %and3A_1125 = arith.andi %ne3A_1124, %ne3A_1119 : i1
      %add3A_1126 = arith.addi %rem3A_1117, %select_n3A_1116 : i32
      %select_n3A_1127 = arith.select %and3A_1125, %add3A_1126, %rem3A_1117 : i32
      %mul3A_1128 = arith.constant 200 : i32
      %mul3A_1129 = arith.muli %select_n3A_1127, %mul3A_1128 : i32
      %mul3A_1130 = arith.constant 128 : i32
      %mul3A_1131 = arith.muli %select_n3A_1109, %mul3A_1130 : i32
      %add3A_1132 = arith.addi %mul3A_2, %mul3A_1131 : i32
      %dma_wait3A_1133 = tpu.memref_slice %arg3[%mul3A_1129, %add3A_1132] : memref<1000x16384xf32, #tpu.memory_space<hbm>> -> memref<200x128xf32, #tpu.memory_space<hbm>>
      %dma_wait3A_1134 = tpu.memref_slice %arg3[%mul3A_1129, %add3A_1132] : memref<1000x16384xf32, #tpu.memory_space<hbm>> -> memref<200x128xf32, #tpu.memory_space<hbm>>
      tpu.wait_dma2 semaphore(%arg10 : memref<!tpu.dma_semaphore, #tpu.memory_space<semaphore_mem>>) src(%arg8 : memref<200x128xf32, #tpu.memory_space<vmem>>) dst(%dma_wait3A_1134 : memref<200x128xf32, #tpu.memory_space<hbm>>)
      %iota3A_1135 = tpu.iota {dimensions = array<i32: 0>} : vector<16xi32>
      %broadcast_in_dim3A_1136 = arith.constant 0.000000e+00 : f32
      %broadcast_in_dim3A_1137 = vector.broadcast %broadcast_in_dim3A_1136 : f32 to vector<16xf32>
      %mul3A_1138 = arith.constant 128 : i32
      %mul3A_1139 = arith.muli %select_n3A_1109, %mul3A_1138 : i32
      %add3A_1140 = arith.constant 0 : i32
      %add3A_1141 = arith.addi %mul3A_1139, %add3A_1140 : i32
      %get3A_1142 = arith.index_cast %add3A_1141 : i32 to index
      %get3A_1143 = tpu.vector_load %arg5[%get3A_1142] {strides = array<i32>} : memref<512xi32, #tpu.memory_space<vmem>>, vector<16xi32>,
      %add3A_1144 = arith.constant 0 : i32
      %add3A_1145 = arith.addi %mul3A_1139, %add3A_1144 : i32
      %get3A_1146 = arith.index_cast %add3A_1145 : i32 to index
      %get3A_1147 = tpu.vector_load %arg6[%get3A_1146] {strides = array<i32>} : memref<512xi32, #tpu.memory_space<vmem>>, vector<16xi32>,
      %add3A_1148 = arith.constant 0 : i32
      %add3A_1149 = vector.broadcast %add3A_1148 : i32 to vector<16xi32>
      %add3A_1150 = arith.addi %add3A_1149, %iota3A_1135 : vector<16xi32>
      %eq3A_1151 = vector.broadcast %select_n3A_1127 : i32 to vector<16xi32>
      %eq3A_1152 = arith.cmpi eq, %get3A_1143, %eq3A_1151 : vector<16xi32>
      tpu.vector_store_idx %arg8[%get3A_1147, %add3A_1150], %broadcast_in_dim3A_1137 masked %eq3A_1152 : memref<200x128xf32, #tpu.memory_space<vmem>>[vector<16xi32>, vector<16xi32>], vector<16xf32>, vector<16xi1>
      %add3A_1153 = arith.constant 16 : i32
      %add3A_1154 = arith.addi %mul3A_1139, %add3A_1153 : i32
      %get3A_1155 = arith.index_cast %add3A_1154 : i32 to index
      %get3A_1156 = tpu.vector_load %arg5[%get3A_1155] {strides = array<i32>} : memref<512xi32, #tpu.memory_space<vmem>>, vector<16xi32>,
      %add3A_1157 = arith.constant 16 : i32
      %add3A_1158 = arith.addi %mul3A_1139, %add3A_1157 : i32
      %get3A_1159 = arith.index_cast %add3A_1158 : i32 to index
      %get3A_1160 = tpu.vector_load %arg6[%get3A_1159] {strides = array<i32>} : memref<512xi32, #tpu.memory_space<vmem>>, vector<16xi32>,
      %add3A_1161 = arith.constant 16 : i32
      %add3A_1162 = vector.broadcast %add3A_1161 : i32 to vector<16xi32>
      %add3A_1163 = arith.addi %add3A_1162, %iota3A_1135 : vector<16xi32>
      %eq3A_1164 = vector.broadcast %select_n3A_1127 : i32 to vector<16xi32>
      %eq3A_1165 = arith.cmpi eq, %get3A_1156, %eq3A_1164 : vector<16xi32>
      tpu.vector_store_idx %arg8[%get3A_1160, %add3A_1163], %broadcast_in_dim3A_1137 masked %eq3A_1165 : memref<200x128xf32, #tpu.memory_space<vmem>>[vector<16xi32>, vector<16xi32>], vector<16xf32>, vector<16xi1>
      %add3A_1166 = arith.constant 32 : i32
      %add3A_1167 = arith.addi %mul3A_1139, %add3A_1166 : i32
      %get3A_1168 = arith.index_cast %add3A_1167 : i32 to index
      %get3A_1169 = tpu.vector_load %arg5[%get3A_1168] {strides = array<i32>} : memref<512xi32, #tpu.memory_space<vmem>>, vector<16xi32>,
      %add3A_1170 = arith.constant 32 : i32
      %add3A_1171 = arith.addi %mul3A_1139, %add3A_1170 : i32
      %get3A_1172 = arith.index_cast %add3A_1171 : i32 to index
      %get3A_1173 = tpu.vector_load %arg6[%get3A_1172] {strides = array<i32>} : memref<512xi32, #tpu.memory_space<vmem>>, vector<16xi32>,
      %add3A_1174 = arith.constant 32 : i32
      %add3A_1175 = vector.broadcast %add3A_1174 : i32 to vector<16xi32>
      %add3A_1176 = arith.addi %add3A_1175, %iota3A_1135 : vector<16xi32>
      %eq3A_1177 = vector.broadcast %select_n3A_1127 : i32 to vector<16xi32>
      %eq3A_1178 = arith.cmpi eq, %get3A_1169, %eq3A_1177 : vector<16xi32>
      tpu.vector_store_idx %arg8[%get3A_1173, %add3A_1176], %broadcast_in_dim3A_1137 masked %eq3A_1178 : memref<200x128xf32, #tpu.memory_space<vmem>>[vector<16xi32>, vector<16xi32>], vector<16xf32>, vector<16xi1>
      %add3A_1179 = arith.constant 48 : i32
      %add3A_1180 = arith.addi %mul3A_1139, %add3A_1179 : i32
      %get3A_1181 = arith.index_cast %add3A_1180 : i32 to index
      %get3A_1182 = tpu.vector_load %arg5[%get3A_1181] {strides = array<i32>} : memref<512xi32, #tpu.memory_space<vmem>>, vector<16xi32>,
      %add3A_1183 = arith.constant 48 : i32
      %add3A_1184 = arith.addi %mul3A_1139, %add3A_1183 : i32
      %get3A_1185 = arith.index_cast %add3A_1184 : i32 to index
      %get3A_1186 = tpu.vector_load %arg6[%get3A_1185] {strides = array<i32>} : memref<512xi32, #tpu.memory_space<vmem>>, vector<16xi32>,
      %add3A_1187 = arith.constant 48 : i32
      %add3A_1188 = vector.broadcast %add3A_1187 : i32 to vector<16xi32>
      %add3A_1189 = arith.addi %add3A_1188, %iota3A_1135 : vector<16xi32>
      %eq3A_1190 = vector.broadcast %select_n3A_1127 : i32 to vector<16xi32>
      %eq3A_1191 = arith.cmpi eq, %get3A_1182, %eq3A_1190 : vector<16xi32>
      tpu.vector_store_idx %arg8[%get3A_1186, %add3A_1189], %broadcast_in_dim3A_1137 masked %eq3A_1191 : memref<200x128xf32, #tpu.memory_space<vmem>>[vector<16xi32>, vector<16xi32>], vector<16xf32>, vector<16xi1>
      %add3A_1192 = arith.constant 64 : i32
      %add3A_1193 = arith.addi %mul3A_1139, %add3A_1192 : i32
      %get3A_1194 = arith.index_cast %add3A_1193 : i32 to index
      %get3A_1195 = tpu.vector_load %arg5[%get3A_1194] {strides = array<i32>} : memref<512xi32, #tpu.memory_space<vmem>>, vector<16xi32>,
      %add3A_1196 = arith.constant 64 : i32
      %add3A_1197 = arith.addi %mul3A_1139, %add3A_1196 : i32
      %get3A_1198 = arith.index_cast %add3A_1197 : i32 to index
      %get3A_1199 = tpu.vector_load %arg6[%get3A_1198] {strides = array<i32>} : memref<512xi32, #tpu.memory_space<vmem>>, vector<16xi32>,
      %add3A_1200 = arith.constant 64 : i32
      %add3A_1201 = vector.broadcast %add3A_1200 : i32 to vector<16xi32>
      %add3A_1202 = arith.addi %add3A_1201, %iota3A_1135 : vector<16xi32>
      %eq3A_1203 = vector.broadcast %select_n3A_1127 : i32 to vector<16xi32>
      %eq3A_1204 = arith.cmpi eq, %get3A_1195, %eq3A_1203 : vector<16xi32>
      tpu.vector_store_idx %arg8[%get3A_1199, %add3A_1202], %broadcast_in_dim3A_1137 masked %eq3A_1204 : memref<200x128xf32, #tpu.memory_space<vmem>>[vector<16xi32>, vector<16xi32>], vector<16xf32>, vector<16xi1>
      %add3A_1205 = arith.constant 80 : i32
      %add3A_1206 = arith.addi %mul3A_1139, %add3A_1205 : i32
      %get3A_1207 = arith.index_cast %add3A_1206 : i32 to index
      %get3A_1208 = tpu.vector_load %arg5[%get3A_1207] {strides = array<i32>} : memref<512xi32, #tpu.memory_space<vmem>>, vector<16xi32>,
      %add3A_1209 = arith.constant 80 : i32
      %add3A_1210 = arith.addi %mul3A_1139, %add3A_1209 : i32
      %get3A_1211 = arith.index_cast %add3A_1210 : i32 to index
      %get3A_1212 = tpu.vector_load %arg6[%get3A_1211] {strides = array<i32>} : memref<512xi32, #tpu.memory_space<vmem>>, vector<16xi32>,
      %add3A_1213 = arith.constant 80 : i32
      %add3A_1214 = vector.broadcast %add3A_1213 : i32 to vector<16xi32>
      %add3A_1215 = arith.addi %add3A_1214, %iota3A_1135 : vector<16xi32>
      %eq3A_1216 = vector.broadcast %select_n3A_1127 : i32 to vector<16xi32>
      %eq3A_1217 = arith.cmpi eq, %get3A_1208, %eq3A_1216 : vector<16xi32>
      tpu.vector_store_idx %arg8[%get3A_1212, %add3A_1215], %broadcast_in_dim3A_1137 masked %eq3A_1217 : memref<200x128xf32, #tpu.memory_space<vmem>>[vector<16xi32>, vector<16xi32>], vector<16xf32>, vector<16xi1>
      %add3A_1218 = arith.constant 96 : i32
      %add3A_1219 = arith.addi %mul3A_1139, %add3A_1218 : i32
      %get3A_1220 = arith.index_cast %add3A_1219 : i32 to index
      %get3A_1221 = tpu.vector_load %arg5[%get3A_1220] {strides = array<i32>} : memref<512xi32, #tpu.memory_space<vmem>>, vector<16xi32>,
      %add3A_1222 = arith.constant 96 : i32
      %add3A_1223 = arith.addi %mul3A_1139, %add3A_1222 : i32
      %get3A_1224 = arith.index_cast %add3A_1223 : i32 to index
      %get3A_1225 = tpu.vector_load %arg6[%get3A_1224] {strides = array<i32>} : memref<512xi32, #tpu.memory_space<vmem>>, vector<16xi32>,
      %add3A_1226 = arith.constant 96 : i32
      %add3A_1227 = vector.broadcast %add3A_1226 : i32 to vector<16xi32>
      %add3A_1228 = arith.addi %add3A_1227, %iota3A_1135 : vector<16xi32>
      %eq3A_1229 = vector.broadcast %select_n3A_1127 : i32 to vector<16xi32>
      %eq3A_1230 = arith.cmpi eq, %get3A_1221, %eq3A_1229 : vector<16xi32>
      tpu.vector_store_idx %arg8[%get3A_1225, %add3A_1228], %broadcast_in_dim3A_1137 masked %eq3A_1230 : memref<200x128xf32, #tpu.memory_space<vmem>>[vector<16xi32>, vector<16xi32>], vector<16xf32>, vector<16xi1>
      %add3A_1231 = arith.constant 112 : i32
      %add3A_1232 = arith.addi %mul3A_1139, %add3A_1231 : i32
      %get3A_1233 = arith.index_cast %add3A_1232 : i32 to index
      %get3A_1234 = tpu.vector_load %arg5[%get3A_1233] {strides = array<i32>} : memref<512xi32, #tpu.memory_space<vmem>>, vector<16xi32>,
      %add3A_1235 = arith.constant 112 : i32
      %add3A_1236 = arith.addi %mul3A_1139, %add3A_1235 : i32
      %get3A_1237 = arith.index_cast %add3A_1236 : i32 to index
      %get3A_1238 = tpu.vector_load %arg6[%get3A_1237] {strides = array<i32>} : memref<512xi32, #tpu.memory_space<vmem>>, vector<16xi32>,
      %add3A_1239 = arith.constant 112 : i32
      %add3A_1240 = vector.broadcast %add3A_1239 : i32 to vector<16xi32>
      %add3A_1241 = arith.addi %add3A_1240, %iota3A_1135 : vector<16xi32>
      %eq3A_1242 = vector.broadcast %select_n3A_1127 : i32 to vector<16xi32>
      %eq3A_1243 = arith.cmpi eq, %get3A_1234, %eq3A_1242 : vector<16xi32>
      tpu.vector_store_idx %arg8[%get3A_1238, %add3A_1241], %broadcast_in_dim3A_1137 masked %eq3A_1243 : memref<200x128xf32, #tpu.memory_space<vmem>>[vector<16xi32>, vector<16xi32>], vector<16xf32>, vector<16xi1>
      %iota3A_1244 = tpu.iota {dimensions = array<i32: 0>} : vector<16xi32>
      %broadcast_in_dim3A_1245 = arith.constant 1.000000e+00 : f32
      %broadcast_in_dim3A_1246 = vector.broadcast %broadcast_in_dim3A_1245 : f32 to vector<16xf32>
      %mul3A_1247 = arith.constant 128 : i32
      %mul3A_1248 = arith.muli %select_n3A_1067, %mul3A_1247 : i32
      %add3A_1249 = arith.constant 0 : i32
      %add3A_1250 = arith.addi %mul3A_1248, %add3A_1249 : i32
      %get3A_1251 = arith.index_cast %add3A_1250 : i32 to index
      %get3A_1252 = tpu.vector_load %arg5[%get3A_1251] {strides = array<i32>} : memref<512xi32, #tpu.memory_space<vmem>>, vector<16xi32>,
      %add3A_1253 = arith.constant 0 : i32
      %add3A_1254 = arith.addi %mul3A_1248, %add3A_1253 : i32
      %get3A_1255 = arith.index_cast %add3A_1254 : i32 to index
      %get3A_1256 = tpu.vector_load %arg6[%get3A_1255] {strides = array<i32>} : memref<512xi32, #tpu.memory_space<vmem>>, vector<16xi32>,
      %add3A_1257 = arith.constant 0 : i32
      %add3A_1258 = vector.broadcast %add3A_1257 : i32 to vector<16xi32>
      %add3A_1259 = arith.addi %add3A_1258, %iota3A_1244 : vector<16xi32>
      %eq3A_1260 = vector.broadcast %select_n3A_1083 : i32 to vector<16xi32>
      %eq3A_1261 = arith.cmpi eq, %get3A_1252, %eq3A_1260 : vector<16xi32>
      tpu.vector_store_idx %arg8[%get3A_1256, %add3A_1259], %broadcast_in_dim3A_1246 masked %eq3A_1261 : memref<200x128xf32, #tpu.memory_space<vmem>>[vector<16xi32>, vector<16xi32>], vector<16xf32>, vector<16xi1>
      %add3A_1262 = arith.constant 16 : i32
      %add3A_1263 = arith.addi %mul3A_1248, %add3A_1262 : i32
      %get3A_1264 = arith.index_cast %add3A_1263 : i32 to index
      %get3A_1265 = tpu.vector_load %arg5[%get3A_1264] {strides = array<i32>} : memref<512xi32, #tpu.memory_space<vmem>>, vector<16xi32>,
      %add3A_1266 = arith.constant 16 : i32
      %add3A_1267 = arith.addi %mul3A_1248, %add3A_1266 : i32
      %get3A_1268 = arith.index_cast %add3A_1267 : i32 to index
      %get3A_1269 = tpu.vector_load %arg6[%get3A_1268] {strides = array<i32>} : memref<512xi32, #tpu.memory_space<vmem>>, vector<16xi32>,
      %add3A_1270 = arith.constant 16 : i32
      %add3A_1271 = vector.broadcast %add3A_1270 : i32 to vector<16xi32>
      %add3A_1272 = arith.addi %add3A_1271, %iota3A_1244 : vector<16xi32>
      %eq3A_1273 = vector.broadcast %select_n3A_1083 : i32 to vector<16xi32>
      %eq3A_1274 = arith.cmpi eq, %get3A_1265, %eq3A_1273 : vector<16xi32>
      tpu.vector_store_idx %arg8[%get3A_1269, %add3A_1272], %broadcast_in_dim3A_1246 masked %eq3A_1274 : memref<200x128xf32, #tpu.memory_space<vmem>>[vector<16xi32>, vector<16xi32>], vector<16xf32>, vector<16xi1>
      %add3A_1275 = arith.constant 32 : i32
      %add3A_1276 = arith.addi %mul3A_1248, %add3A_1275 : i32
      %get3A_1277 = arith.index_cast %add3A_1276 : i32 to index
      %get3A_1278 = tpu.vector_load %arg5[%get3A_1277] {strides = array<i32>} : memref<512xi32, #tpu.memory_space<vmem>>, vector<16xi32>,
      %add3A_1279 = arith.constant 32 : i32
      %add3A_1280 = arith.addi %mul3A_1248, %add3A_1279 : i32
      %get3A_1281 = arith.index_cast %add3A_1280 : i32 to index
      %get3A_1282 = tpu.vector_load %arg6[%get3A_1281] {strides = array<i32>} : memref<512xi32, #tpu.memory_space<vmem>>, vector<16xi32>,
      %add3A_1283 = arith.constant 32 : i32
      %add3A_1284 = vector.broadcast %add3A_1283 : i32 to vector<16xi32>
      %add3A_1285 = arith.addi %add3A_1284, %iota3A_1244 : vector<16xi32>
      %eq3A_1286 = vector.broadcast %select_n3A_1083 : i32 to vector<16xi32>
      %eq3A_1287 = arith.cmpi eq, %get3A_1278, %eq3A_1286 : vector<16xi32>
      tpu.vector_store_idx %arg8[%get3A_1282, %add3A_1285], %broadcast_in_dim3A_1246 masked %eq3A_1287 : memref<200x128xf32, #tpu.memory_space<vmem>>[vector<16xi32>, vector<16xi32>], vector<16xf32>, vector<16xi1>
      %add3A_1288 = arith.constant 48 : i32
      %add3A_1289 = arith.addi %mul3A_1248, %add3A_1288 : i32
      %get3A_1290 = arith.index_cast %add3A_1289 : i32 to index
      %get3A_1291 = tpu.vector_load %arg5[%get3A_1290] {strides = array<i32>} : memref<512xi32, #tpu.memory_space<vmem>>, vector<16xi32>,
      %add3A_1292 = arith.constant 48 : i32
      %add3A_1293 = arith.addi %mul3A_1248, %add3A_1292 : i32
      %get3A_1294 = arith.index_cast %add3A_1293 : i32 to index
      %get3A_1295 = tpu.vector_load %arg6[%get3A_1294] {strides = array<i32>} : memref<512xi32, #tpu.memory_space<vmem>>, vector<16xi32>,
      %add3A_1296 = arith.constant 48 : i32
      %add3A_1297 = vector.broadcast %add3A_1296 : i32 to vector<16xi32>
      %add3A_1298 = arith.addi %add3A_1297, %iota3A_1244 : vector<16xi32>
      %eq3A_1299 = vector.broadcast %select_n3A_1083 : i32 to vector<16xi32>
      %eq3A_1300 = arith.cmpi eq, %get3A_1291, %eq3A_1299 : vector<16xi32>
      tpu.vector_store_idx %arg8[%get3A_1295, %add3A_1298], %broadcast_in_dim3A_1246 masked %eq3A_1300 : memref<200x128xf32, #tpu.memory_space<vmem>>[vector<16xi32>, vector<16xi32>], vector<16xf32>, vector<16xi1>
      %add3A_1301 = arith.constant 64 : i32
      %add3A_1302 = arith.addi %mul3A_1248, %add3A_1301 : i32
      %get3A_1303 = arith.index_cast %add3A_1302 : i32 to index
      %get3A_1304 = tpu.vector_load %arg5[%get3A_1303] {strides = array<i32>} : memref<512xi32, #tpu.memory_space<vmem>>, vector<16xi32>,
      %add3A_1305 = arith.constant 64 : i32
      %add3A_1306 = arith.addi %mul3A_1248, %add3A_1305 : i32
      %get3A_1307 = arith.index_cast %add3A_1306 : i32 to index
      %get3A_1308 = tpu.vector_load %arg6[%get3A_1307] {strides = array<i32>} : memref<512xi32, #tpu.memory_space<vmem>>, vector<16xi32>,
      %add3A_1309 = arith.constant 64 : i32
      %add3A_1310 = vector.broadcast %add3A_1309 : i32 to vector<16xi32>
      %add3A_1311 = arith.addi %add3A_1310, %iota3A_1244 : vector<16xi32>
      %eq3A_1312 = vector.broadcast %select_n3A_1083 : i32 to vector<16xi32>
      %eq3A_1313 = arith.cmpi eq, %get3A_1304, %eq3A_1312 : vector<16xi32>
      tpu.vector_store_idx %arg8[%get3A_1308, %add3A_1311], %broadcast_in_dim3A_1246 masked %eq3A_1313 : memref<200x128xf32, #tpu.memory_space<vmem>>[vector<16xi32>, vector<16xi32>], vector<16xf32>, vector<16xi1>
      %add3A_1314 = arith.constant 80 : i32
      %add3A_1315 = arith.addi %mul3A_1248, %add3A_1314 : i32
      %get3A_1316 = arith.index_cast %add3A_1315 : i32 to index
      %get3A_1317 = tpu.vector_load %arg5[%get3A_1316] {strides = array<i32>} : memref<512xi32, #tpu.memory_space<vmem>>, vector<16xi32>,
      %add3A_1318 = arith.constant 80 : i32
      %add3A_1319 = arith.addi %mul3A_1248, %add3A_1318 : i32
      %get3A_1320 = arith.index_cast %add3A_1319 : i32 to index
      %get3A_1321 = tpu.vector_load %arg6[%get3A_1320] {strides = array<i32>} : memref<512xi32, #tpu.memory_space<vmem>>, vector<16xi32>,
      %add3A_1322 = arith.constant 80 : i32
      %add3A_1323 = vector.broadcast %add3A_1322 : i32 to vector<16xi32>
      %add3A_1324 = arith.addi %add3A_1323, %iota3A_1244 : vector<16xi32>
      %eq3A_1325 = vector.broadcast %select_n3A_1083 : i32 to vector<16xi32>
      %eq3A_1326 = arith.cmpi eq, %get3A_1317, %eq3A_1325 : vector<16xi32>
      tpu.vector_store_idx %arg8[%get3A_1321, %add3A_1324], %broadcast_in_dim3A_1246 masked %eq3A_1326 : memref<200x128xf32, #tpu.memory_space<vmem>>[vector<16xi32>, vector<16xi32>], vector<16xf32>, vector<16xi1>
      %add3A_1327 = arith.constant 96 : i32
      %add3A_1328 = arith.addi %mul3A_1248, %add3A_1327 : i32
      %get3A_1329 = arith.index_cast %add3A_1328 : i32 to index
      %get3A_1330 = tpu.vector_load %arg5[%get3A_1329] {strides = array<i32>} : memref<512xi32, #tpu.memory_space<vmem>>, vector<16xi32>,
      %add3A_1331 = arith.constant 96 : i32
      %add3A_1332 = arith.addi %mul3A_1248, %add3A_1331 : i32
      %get3A_1333 = arith.index_cast %add3A_1332 : i32 to index
      %get3A_1334 = tpu.vector_load %arg6[%get3A_1333] {strides = array<i32>} : memref<512xi32, #tpu.memory_space<vmem>>, vector<16xi32>,
      %add3A_1335 = arith.constant 96 : i32
      %add3A_1336 = vector.broadcast %add3A_1335 : i32 to vector<16xi32>
      %add3A_1337 = arith.addi %add3A_1336, %iota3A_1244 : vector<16xi32>
      %eq3A_1338 = vector.broadcast %select_n3A_1083 : i32 to vector<16xi32>
      %eq3A_1339 = arith.cmpi eq, %get3A_1330, %eq3A_1338 : vector<16xi32>
      tpu.vector_store_idx %arg8[%get3A_1334, %add3A_1337], %broadcast_in_dim3A_1246 masked %eq3A_1339 : memref<200x128xf32, #tpu.memory_space<vmem>>[vector<16xi32>, vector<16xi32>], vector<16xf32>, vector<16xi1>
      %add3A_1340 = arith.constant 112 : i32
      %add3A_1341 = arith.addi %mul3A_1248, %add3A_1340 : i32
      %get3A_1342 = arith.index_cast %add3A_1341 : i32 to index
      %get3A_1343 = tpu.vector_load %arg5[%get3A_1342] {strides = array<i32>} : memref<512xi32, #tpu.memory_space<vmem>>, vector<16xi32>,
      %add3A_1344 = arith.constant 112 : i32
      %add3A_1345 = arith.addi %mul3A_1248, %add3A_1344 : i32
      %get3A_1346 = arith.index_cast %add3A_1345 : i32 to index
      %get3A_1347 = tpu.vector_load %arg6[%get3A_1346] {strides = array<i32>} : memref<512xi32, #tpu.memory_space<vmem>>, vector<16xi32>,
      %add3A_1348 = arith.constant 112 : i32
      %add3A_1349 = vector.broadcast %add3A_1348 : i32 to vector<16xi32>
      %add3A_1350 = arith.addi %add3A_1349, %iota3A_1244 : vector<16xi32>
      %eq3A_1351 = vector.broadcast %select_n3A_1083 : i32 to vector<16xi32>
      %eq3A_1352 = arith.cmpi eq, %get3A_1343, %eq3A_1351 : vector<16xi32>
      tpu.vector_store_idx %arg8[%get3A_1347, %add3A_1350], %broadcast_in_dim3A_1246 masked %eq3A_1352 : memref<200x128xf32, #tpu.memory_space<vmem>>[vector<16xi32>, vector<16xi32>], vector<16xf32>, vector<16xi1>
      %mul3A_1353 = arith.constant 200 : i32
      %mul3A_1354 = arith.muli %select_n3A_1083, %mul3A_1353 : i32
      %mul3A_1355 = arith.constant 128 : i32
      %mul3A_1356 = arith.muli %select_n3A_1067, %mul3A_1355 : i32
      %add3A_1357 = arith.addi %mul3A_2, %mul3A_1356 : i32
      %dma_start3A_1358 = tpu.memref_slice %arg3[%mul3A_1354, %add3A_1357] : memref<1000x16384xf32, #tpu.memory_space<hbm>> -> memref<200x128xf32, #tpu.memory_space<hbm>>
      %dma_start3A_1359 = tpu.memref_slice %arg3[%mul3A_1354, %add3A_1357] : memref<1000x16384xf32, #tpu.memory_space<hbm>> -> memref<200x128xf32, #tpu.memory_space<hbm>>
      tpu.enqueue_dma source(%arg8 : memref<200x128xf32, #tpu.memory_space<vmem>>) target(%dma_start3A_1359 : memref<200x128xf32, #tpu.memory_space<hbm>>) target_semaphore(%arg10 : memref<!tpu.dma_semaphore, #tpu.memory_space<semaphore_mem>>)
      %scan3A_1360 = arith.constant 0 : i32
      scf.yield %scan3A_1360 : i32
    }
    %scan3A_709 = arith.constant 9 : i32
    %add3A_710 = arith.constant 384 : i32
    %add3A_711 = arith.addi %mul3A_2, %add3A_710 : i32
    %dma_wait3A_712 = arith.constant 600 : i32
    %dma_wait3A_713 = tpu.memref_slice %arg3[%dma_wait3A_712, %add3A_711] : memref<1000x16384xf32, #tpu.memory_space<hbm>> -> memref<200x128xf32, #tpu.memory_space<hbm>>
    %dma_wait3A_714 = arith.constant 600 : i32
    %dma_wait3A_715 = tpu.memref_slice %arg3[%dma_wait3A_714, %add3A_711] : memref<1000x16384xf32, #tpu.memory_space<hbm>> -> memref<200x128xf32, #tpu.memory_space<hbm>>
    tpu.wait_dma2 semaphore(%arg9 : memref<!tpu.dma_semaphore, #tpu.memory_space<semaphore_mem>>) src(%arg7 : memref<200x128xf32, #tpu.memory_space<vmem>>) dst(%dma_wait3A_715 : memref<200x128xf32, #tpu.memory_space<hbm>>)
    %add3A_716 = arith.constant 384 : i32
    %add3A_717 = arith.addi %mul3A_2, %add3A_716 : i32
    %dma_wait3A_718 = arith.constant 800 : i32
    %dma_wait3A_719 = tpu.memref_slice %arg3[%dma_wait3A_718, %add3A_717] : memref<1000x16384xf32, #tpu.memory_space<hbm>> -> memref<200x128xf32, #tpu.memory_space<hbm>>
    %dma_wait3A_720 = arith.constant 800 : i32
    %dma_wait3A_721 = tpu.memref_slice %arg3[%dma_wait3A_720, %add3A_717] : memref<1000x16384xf32, #tpu.memory_space<hbm>> -> memref<200x128xf32, #tpu.memory_space<hbm>>
    tpu.wait_dma2 semaphore(%arg10 : memref<!tpu.dma_semaphore, #tpu.memory_space<semaphore_mem>>) src(%arg8 : memref<200x128xf32, #tpu.memory_space<vmem>>) dst(%dma_wait3A_721 : memref<200x128xf32, #tpu.memory_space<hbm>>)
    return
  }
}

</mosaic_0001>

<sc_bundles>
// kernel: kernel.3.cloned.1.call-start
scs
__scs_entry_jumppad:
0x0: {  	(pc) =	sbr.rel $0x88, $3  }
0x1: {  	(tag) =	ssettag $0x0;
	lr =	simm.s32 $0x1  }
0x2: {  	[smem:$0x3FA0] =	sst lr;
	_ =	strace $0xD0000000  }
0x3: {  	_ = 	snop  }
0x4: {  	_ = 	snop  }
0x5: {  	_ = 	snop  }
0x6: {  	_ = 	snop  }
0x7: {  	_ = 	snop  }
__scs_overlays_trampoline_lowered:
0x8: {  	[smem:$0x3FAF] =	sst s0  }
0x9: {  	[smem:$0x3FB0] =	sst s1  }
0xa: {  	[smem:$0x3FB1] =	sst s2  }
0xb: {  	[smem:$0x3FB2] =	sst s3  }
0xc: {  	[smem:$0x3FB3] =	sst s4  }
0xd: {  	[smem:$0x3FB4] =	sst s5  }
0xe: {  	[smem:$0x3FB5] =	sst s6  }
0xf: {  	[smem:$0x3FB6] =	sst s7  }
0x10: {  	[smem:$0x3FB7] =	sst s8  }
0x11: {  	[smem:$0x3FB8] =	sst s9;
	s0 =	simm.s32 @!p0 $0x0  }
0x12: {  	s1 =	sld [smem:$0x3F9E];
	s0 =	simm.s32 @p0 $0x1  }
0x13: {  	[smem:$0x3FB9] =	sst s0;
	s0 =	simm.s32 @!p1 $0x0  }
0x14: {  	s2 =	sld [smem:$0x3F9D];
	s0 =	simm.s32 @p1 $0x1  }
0x15: {  	[smem:$0x3FBA] =	sst s0;
	s0 =	simm.s32 @!p2 $0x0  }
0x16: {  	s3 =	sld [smem:$0x3FDB];
	s0 =	simm.s32 @p2 $0x1  }
0x17: {  	s4 =	simm.s32 $0x1BF5;
	[smem:$0x3FBC] =	sst s0  }
0x18: {  	s0 =	sld [smem:$0x3F9F];
	_ =	swait.ge [sflag:s4], $0x0  }
0x19: {  	s7 =	sld [smem:$0x3FA0]  }
0x1a: {  	s8 =	sadd.s32 $0xFFFFE003, lr  }
0x1b: {  	s9 =	sadd.s32 $0xFFFFFEF7, lr;
	s5 =	simm.s32 $0xFFFFFFFF;
	p2 =	slt.u32 s8, $0xFFFFF086  }
0x1c: {  	p1 =	slt.u32 s9, $0xF7A;
	s5 =	simm.s32 @!p2 $0x0  }
0x1d: {  	s5 =	simm.s32 @p1 $0x1;
	p0 =	seq.s32 s7, s2  }
0x1e: {  	s7 =	smul.u32 @!p0 $0xF7A, s2;
	p2 =	seq.s32 @!p0 s5, $0x0  }
0x1f: {  	s9 =	smul.u32 $0xF7A, s1;
	s8 =	simm.s32 @!p0 $0x1BF5;
	p2 =	por !p2, p0  }
0x20: {  	[sflag:s8] =	ssyncset.s32 @!p0 $0xFFFFF086;
	s6 =	sadd.s32 @!p0 s3, s7;
	s7 =	simm.s32 @!p0 $0x108  }
0x21: {  	s3 =	sadd.s32 s3, s9;
	s6 =	sadd.s32 @!p0 $0x88, s6;
	s7 =	simm.s32 @p2 $0x1082  }
0x22: {  	[simem:s7], [sflag:s8] =	dma.local @!p0 [hbm:s6], $0xF7A  }
0x23: {  	s9 =	sor.u32 $0xD0000000, s2;
	s6 =	simm.s32 $0x108;
	_ =	swait.ge @!p0 [sflag:s8], $0x0  }
0x24: {  	s3 =	sadd.s32 $0x88, s3;
	s6 =	simm.s32 @!p1 $0x1082;
	[sflag:s4] =	ssyncset.s32 $0xFFFFF086  }
0x25: {  	[simem:s6], [sflag:s4] =	dma.local [hbm:s3], $0xF7A  }
0x26: {  	[smem:$0x3FA0] =	sst s1;
	(tag) =	ssettag s2;
	_ =	strace s9  }
0x27: {  	s1 =	sld [smem:$0x3FB0]  }
0x28: {  	s2 =	sld [smem:$0x3FB1]  }
0x29: {  	s4 =	sld [smem:$0x3FB3]  }
0x2a: {  	p0 =	seq.s32 s5, $0x0;
	s5 =	sld [smem:$0x3FB4]  }
0x2b: {  	s6 =	sld [smem:$0x3FB5]  }
0x2c: {  	s7 =	sld [smem:$0x3FB6]  }
0x2d: {  	s3 =	simm.s32 $0x108;
	s8 =	sld [smem:$0x3FB7]  }
0x2e: {  	s3 =	simm.s32 @!p0 $0x1082;
	s9 =	sld [smem:$0x3FB8]  }
0x2f: {  	lr =	sadd.s32 s0, s3;
	s0 =	sld [smem:$0x3FAF]  }
0x30: {  	s3 =	sld [smem:$0x3FB2]  }
0x31: {  	[smem:$0x3FBB] =	sst s10  }
0x32: {  	s10 =	sld [smem:$0x3FB9];
	_ =	sdelay $0x3  }
0x33: {  	p0 =	seq.s32 s10, $0x1;
	s10 =	sld [smem:$0x3FBB];
	_ =	sdelay $0x3  }
0x34: {  	[smem:$0x3FBB] =	sst s10  }
0x35: {  	s10 =	sld [smem:$0x3FBA];
	_ =	sdelay $0x3  }
0x36: {  	p1 =	seq.s32 s10, $0x1;
	s10 =	sld [smem:$0x3FBB];
	_ =	sdelay $0x3  }
0x37: {  	[smem:$0x3FBB] =	sst s10  }
0x38: {  	s10 =	sld [smem:$0x3FBC]  }
0x39: {  	_ = 	snop;
	(pc) =	sbr.ind lr, $3  }
0x3a: {  	_ = 	snop  }
0x3b: {  	_ = 	snop  }
0x3c: {  	p2 =	seq.s32 s10, $0x1;
	s10 =	sld [smem:$0x3FBB]  }
0x3d: {  	_ =	shalt  }
0x3e: {  	_ =	shalt  }
0x3f: {  	_ =	shalt  }
0x40: {  	_ =	shalt  }
0x41: {  	_ =	shalt  }
0x42: {  	_ =	shalt  }
0x43: {  	_ =	shalt  }
0x44: {  	_ =	shalt  }
0x45: {  	_ =	shalt  }
0x46: {  	_ =	shalt  }
0x47: {  	_ =	shalt  }
0x48: {  	_ =	shalt  }
0x49: {  	_ =	shalt  }
0x4a: {  	_ =	shalt  }
0x4b: {  	_ =	shalt  }
0x4c: {  	_ =	shalt  }
0x4d: {  	_ =	shalt  }
0x4e: {  	_ =	shalt  }
0x4f: {  	_ =	shalt  }
0x50: {  	_ =	shalt  }
0x51: {  	_ =	shalt  }
0x52: {  	_ =	shalt  }
0x53: {  	_ =	shalt  }
0x54: {  	_ =	shalt  }
0x55: {  	_ =	shalt  }
0x56: {  	_ =	shalt  }
0x57: {  	_ =	shalt  }
0x58: {  	_ =	shalt  }
0x59: {  	_ =	shalt  }
0x5a: {  	_ =	shalt  }
0x5b: {  	_ =	shalt  }
0x5c: {  	_ =	shalt  }
0x5d: {  	_ =	shalt  }
0x5e: {  	_ =	shalt  }
0x5f: {  	_ =	shalt  }
0x60: {  	_ =	shalt  }
0x61: {  	_ =	shalt  }
0x62: {  	_ =	shalt  }
0x63: {  	_ =	shalt  }
0x64: {  	_ =	shalt  }
0x65: {  	_ =	shalt  }
0x66: {  	_ =	shalt  }
0x67: {  	_ =	shalt  }
0x68: {  	_ =	shalt  }
0x69: {  	_ =	shalt  }
0x6a: {  	_ =	shalt  }
0x6b: {  	_ =	shalt  }
0x6c: {  	_ =	shalt  }
0x6d: {  	_ =	shalt  }
0x6e: {  	_ =	shalt  }
0x6f: {  	_ =	shalt  }
0x70: {  	_ =	shalt  }
0x71: {  	_ =	shalt  }
0x72: {  	_ =	shalt  }
0x73: {  	_ =	shalt  }
0x74: {  	_ =	shalt  }
0x75: {  	_ =	shalt  }
0x76: {  	_ =	shalt  }
0x77: {  	_ =	shalt  }
0x78: {  	_ =	shalt  }
0x79: {  	_ =	shalt  }
0x7a: {  	_ =	shalt  }
0x7b: {  	_ =	shalt  }
0x7c: {  	_ =	shalt  }
0x7d: {  	_ =	shalt  }
0x7e: {  	_ =	shalt  }
0x7f: {  	_ =	shalt  }
0x80: {  	_ =	shalt  }
0x81: {  	_ =	shalt  }
0x82: {  	_ =	shalt  }
0x83: {  	_ =	shalt  }
0x84: {  	_ =	shalt  }
0x85: {  	_ =	shalt  }
0x86: {  	_ =	shalt  }
0x87: {  	_ =	shalt  }
.Lfunc_end0:
.L_simem_size_0:
called_computation_lowered:
.L_overlay_start_0:
0x88: {  	s2 =	sld [smem:$0x3FD9]  }
0x89: {  	s3 =	sld [smem:$0x3FFE];
	_ =	sdelay $0x1  }
0x8a: {  	s1 =	srdreg.scid  }
0x8b: {  	s0 =	sand.u32 $0x1, s1  }
0x8c: {  	s18 =	sshll.u32 s0, $0xA;
	s2 =	sadd.s32 s3, s2  }
0x8d: {  	s2 =	sadd.s32 s2, s18  }
0x8e: {  	[smem:$0x3FC7] =	sst s2  }
0x8f: {  	_ = 	snop  }
0x90: {  	s2 =	sld [smem:$0x3FC9]  }
0x91: {  	s19 =	sld [smem:$0x3FD0];
	(tm) =	ssettm $0x1  }
0x92: {  	s4 =	sld [smem:$0x3FFB];
	_ =	sdelay $0x3  }
0x93: {  	_ =	strace s4  }
0x94: {  	s4 =	sld [smem:$0x3FFC];
	_ =	sdelay $0x3  }
0x95: {  	_ =	strace s4  }
0x96: {  	s4 =	sld [smem:$0x3FFD];
	_ =	sdelay $0x3  }
0x97: {  	_ =	strace s4  }
0x98: {  	_ =	strace $0x8FFFFFFF  }
0x99: {  	s20 =	sld [smem:$0x3FDB];
	_ =	sdelay $0x1  }
0x9a: {  	s5 =	simm.s32 $_scs_section_size  }
0x9b: {  	s6 =	simm.s32 $_size__tile_overlayer_lowered;
	s7 =	simm.s32 $_tile_overlayer_lowered  }
0x9c: {  	s23 =	simm.s32 $0x1BFF;
	s22 =	sshll.u32 s7, $0x1;
	s4 =	sadd.s32 s5, s20  }
0x9d: {  	s8 =	simm.s32 $0x0;
	s21 =	sshll.u32 s6, $0x1;
	s6 =	sadd.s32 s22, s4  }
0x9e: {  	[timem:s8], [sflag:s23] =	dma.local [hbm:s6], s21  }
0x9f: {  	_ =	swait.ge [sflag:s23], s21  }
0xa0: {  	s5 =	ssub.s32 $0x0, s21;
	[sflag:s23] =	ssyncset.done $0x0  }
0xa1: {  	[sflag:s23] =	ssyncadd.s32 s5;
	_ =	sdelay $0x1  }
0xa2: {  	s24 =	simm.s32 $0x1B8B  }
0xa3: {  	_ =	swait.ge [sflag:s24], $0x1  }
0xa4: {  	[sflag:s24] =	ssyncset.done $0x0  }
0xa5: {  	s25 =	simm.s32 $0x1B8E;
	[sflag:s24] =	ssyncadd.s32 $0xFFFFFFFF  }
0xa6: {  	s26 =	simm.s32 $execute0_lowered;
	[smem:$0x3FD2] =	sst s25  }
0xa7: {  	s5 =	sshll.u32 s26, $0x1;
	_ =	strace $0x80000046;
	[dreg:$0x1] =	wrdreg $0xFFFFFFFF  }
0xa8: {  	s28 =	simm.s32 $_size_execute0_lowered;
	s4 =	sadd.s32 s4, s5;
	[dreg:$0x0] =	wrdreg $0x0  }
0xa9: {  	s5 =	sshll.u32 s28, $0x1;
	[dreg:$0x2] =	wrdreg s4  }
0xaa: {  	[dreg:$0x3] =	wrdreg s5  }
0xab: {  	[dreg:$0x4] =	wrdreg $0xC0  }
0xac: {  	_ =	task [dreg:s8], $0x5FFFF  }
0xad: {  	[dreg:$0x1] =	wrdreg $0xFFFFFFFF  }
0xae: {  	[dreg:$0x0] =	wrdreg $0x60  }
0xaf: {  	[dreg:$0x2] =	wrdreg s2  }
0xb0: {  	[dreg:$0x3] =	wrdreg s19  }
0xb1: {  	[dreg:$0x4] =	wrdreg $0x9  }
0xb2: {  	_ =	task.clear_ibuf [dreg:s8], $0x5FFFF;
	_ =	strace $0x90000046  }
0xb3: {  	s29 =	simm.s32 $0x9;
	_ =	strace $0x80000048  }
0xb4: {  	_ =	swait.ge [sflag:s29], $0x1  }
0xb5: {  	[sflag:s29] =	ssyncadd.s32 $0xFFFFFFFF  }
0xb6: {  	_ =	strace $0x90000048  }
0xb7: {  	_ =	sfence  }
0xb8: {  	s30 =	sld [smem:$0x0];
	_ =	sdelay $0x2  }
0xb9: {  	s31 =	sshll.u32 s1, $0xD;
	s1 =	sshrl.u32 s1, $0x2  }
0xba: {  	s3 =	sand.u32 $0x4000, s31;
	s1 =	sadd.s32 s1, s30  }
0xbb: {  	s0 =	sor.u32 s3, s0;
	s1 =	sshll.u32 s1, $0x11  }
0xbc: {  	s0 =	sor.u32 s1, s0  }
0xbd: {  	s0 =	sadd.s32 $0x8F2B, s0  }
0xbe: {  	[sflag:s0] =	ssyncadd.remote.s32 $0x1  }
0xbf: {  	_ =	sfence.sel $0xFFFF  }
0xc0: {  	[dreg:$0x0] =	wrdreg $0xFFFFFFFF;
	(pc) =	sbr.abs _section_cstart, $3  }
0xc1: {  	[dreg:$0x1] =	wrdreg $0xFFFFFFFF  }
0xc2: {  	_ =	task.clear_ibuf [dreg:s8], $0x2FFFF;
	_ =	strace $0x9FFFFFFF  }
0xc3: {  	(tm) =	ssettm $0x7FFFFFFF  }
tec
execute0_lowered:
.L_overlay_start_1:
0x0: {  	(tag) =	ssettag $0x1  }
0x1: {  	s5 =	rddreg [dreg:$0x0]  }
0x2: {  	s1 =	rddreg [dreg:$0x1]  }
0x3: {  	s0 =	rddreg [dreg:$0x2];
	s3 =	simm.s32 $0x0;
	s4 =	srdreg.scid  }
0x4: {  	s2 =	stileid.u32;
	s9 =	simm.s32 $0x3;
	s10 =	simm.s32 $0x600  }
0x5: {  	s11 =	simm.s32 $0x400;
	s12 =	simm.s32 $0x20000;
	s13 =	simm.s32 $0x6A00  }
0x6: {  	s14 =	simm.s32 $0x1;
	s15 =	simm.s32 $0x2;
	s4 =	sand.u32 $0x1, s4  }
0x7: {  	s16 =	simm.s32 $0x0;
	[smem:$0x7FF] =	sst s3;
	s6 =	ssub.s32 $0x2, s4  }
0x8: {  	v0 =	vlaneseq.u32;
	s7 =	sshll.u32 s2, $0xA;
	s4 =	sshll.u32 s4, $0x9;
	s8 =	sshrl.u32 s6, $0x1  }
0x9: {  	v1 =	vimm.f32 $0.0e+00;
	v2 =	vimm.f32 $1.000000000e+00;
	v3 =	vor.u32 $0x10, v0;
	_ =	strace $0x80000047;
	s7 =	sor.u32 s4, s7;
	s8 =	ssub.s32 s6, s8  }
0xa: {  	v4 =	vor.u32 $0x20, v0;
	v5 =	vor.u32 $0x30, v0;
	v6 =	vor.u32 $0x40, v0;
	s31 =	sshrl.u32 s7, $0x3;
	s4 =	sadd.s32 s1, s7;
	s7 =	sshrl.u32 s7, $0x7  }
0xb: {  	v7 =	vor.u32 $0x50, v0;
	v8 =	vor.u32 $0x60, v0;
	v9 =	vor.u32 $0x70, v0;
	s5 =	sadd.s32 s5, s31;
	s6 =	sadd.s32 $0x64000, s4;
	s8 =	smax.u32 s8, $0x1  }
.LBB2_1:
0xc: {  	[tilespmem:s3], [sflag:$0x3] =	stream.linear.gather [hbm4b:s5+s3], $0x200, $0x38;
	[tilespmem:$0xCE00] =	vst v63  }
0xd: {  	s17 =	simm.s32 $0x0;
	s18 =	simm.s32 $0x200  }
.LBB2_2:
0xe: {  	p0 =	sne.s32 s18, $0x18E00;
	[tilespmem:s17+$0x670] =	vst v1  }
0xf: {  	[tilespmem:s17+$0x600] =	vst v1  }
0x10: {  	[tilespmem:s17+$0x610] =	vst v1  }
.Ltmp0:
0x11: {  	[tilespmem:s17+$0x620] =	vst v1;
	(pc) =	sbr.rel @p0 .LBB2_2-.Ltmp0, $4  }
0x12: {  	[tilespmem:s17+$0x630] =	vst v1  }
0x13: {  	[tilespmem:s17+$0x640] =	vst v1  }
0x14: {  	[tilespmem:s17+$0x650] =	vst v1  }
0x15: {  	[tilespmem:s17+$0x660] =	vst v1;
	s17 =	sshra.s32 s18, $0x2;
	s18 =	sadd.s32 $0x200, s18  }
0x16: {  	[tilespmem:s17+$0x670] =	vst v1  }
0x17: {  	[tilespmem:s17+$0x600] =	vst v1  }
0x18: {  	[tilespmem:s17+$0x610] =	vst v1  }
0x19: {  	[tilespmem:s17+$0x620] =	vst v1  }
0x1a: {  	[tilespmem:s17+$0x630] =	vst v1  }
0x1b: {  	[tilespmem:s17+$0x640] =	vst v1  }
0x1c: {  	[tilespmem:s17+$0x650] =	vst v1  }
0x1d: {  	[tilespmem:s17+$0x660] =	vst v1  }
0x1e: {  	_ =	swait.ge [sflag:s9], $0x200  }
0x1f: {  	[sflag:s9] =	ssyncset.done $0x0  }
0x20: {  	[sflag:s9] =	ssyncadd.s32 $0xFFFFFE00  }
0x21: {  	v10 =	vld [tilespmem:$0x0]  }
0x22: {  	v11 =	vld [tilespmem:$0x10];
	_ =	sdelay $0x2  }
0x23: {  	v12 =	vld [tilespmem:$0x20]  }
0x24: {  	v14 =	vld [tilespmem:$0x30];
	v13 =	vmul.u32 $0x148, v10  }
0x25: {  	v15 =	vmul.u32 $0x148, v11  }
0x26: {  	v13 =	vshrl.u32 v13, $0x10  }
0x27: {  	v17 =	vld [tilespmem:$0x40];
	v15 =	vshrl.u32 v15, $0x10;
	v16 =	vmul.u32 $0xFFFFFF38, v13  }
0x28: {  	v62 =	vld [tilespmem:$0x50];
	v18 =	vmul.u32 $0x148, v12;
	[tilespmem:$0x200] =	vst v13;
	v61 =	vmul.u32 $0xFFFFFF38, v15  }
0x29: {  	v63 =	vmul.u32 $0x148, v14;
	[tilespmem:$0x210] =	vst v15;
	v10 =	vadd.s32 v10, v16  }
0x2a: {  	v11 =	vadd.s32 v11, v61;
	[tilespmem:$0x400] =	vst v10;
	v10 =	vshrl.u32 v18, $0x10  }
0x2b: {  	v22 =	vld [tilespmem:$0x60];
	[tilespmem:$0x410] =	vst v11;
	v11 =	vshrl.u32 v63, $0x10;
	v21 =	vmul.u32 $0xFFFFFF38, v10  }
0x2c: {  	v25 =	vld [tilespmem:$0x70];
	v23 =	vmul.u32 $0x148, v17;
	[tilespmem:$0x220] =	vst v10;
	v24 =	vmul.u32 $0xFFFFFF38, v11  }
0x2d: {  	v26 =	vmul.u32 $0x148, v62;
	[tilespmem:$0x230] =	vst v11;
	v10 =	vadd.s32 v12, v21  }
0x2e: {  	v11 =	vadd.s32 v14, v24;
	[tilespmem:$0x420] =	vst v10;
	v10 =	vshrl.u32 v23, $0x10  }
0x2f: {  	v28 =	vld [tilespmem:$0x80];
	[tilespmem:$0x430] =	vst v11;
	v11 =	vshrl.u32 v26, $0x10;
	v27 =	vmul.u32 $0xFFFFFF38, v10  }
0x30: {  	v31 =	vld [tilespmem:$0x90];
	v29 =	vmul.u32 $0x148, v22;
	[tilespmem:$0x240] =	vst v10;
	v30 =	vmul.u32 $0xFFFFFF38, v11  }
0x31: {  	v32 =	vmul.u32 $0x148, v25;
	[tilespmem:$0x250] =	vst v11;
	v10 =	vadd.s32 v17, v27  }
0x32: {  	v11 =	vadd.s32 v62, v30;
	[tilespmem:$0x440] =	vst v10;
	v10 =	vshrl.u32 v29, $0x10  }
0x33: {  	v34 =	vld [tilespmem:$0xA0];
	[tilespmem:$0x450] =	vst v11;
	v11 =	vshrl.u32 v32, $0x10;
	v33 =	vmul.u32 $0xFFFFFF38, v10  }
0x34: {  	v37 =	vld [tilespmem:$0xB0];
	v35 =	vmul.u32 $0x148, v28;
	[tilespmem:$0x260] =	vst v10;
	v36 =	vmul.u32 $0xFFFFFF38, v11  }
0x35: {  	v38 =	vmul.u32 $0x148, v31;
	[tilespmem:$0x270] =	vst v11;
	v10 =	vadd.s32 v22, v33  }
0x36: {  	v11 =	vadd.s32 v25, v36;
	[tilespmem:$0x460] =	vst v10;
	v10 =	vshrl.u32 v35, $0x10  }
0x37: {  	v40 =	vld [tilespmem:$0xC0];
	[tilespmem:$0x470] =	vst v11;
	v11 =	vshrl.u32 v38, $0x10;
	v39 =	vmul.u32 $0xFFFFFF38, v10  }
0x38: {  	v43 =	vld [tilespmem:$0xD0];
	v41 =	vmul.u32 $0x148, v34;
	[tilespmem:$0x280] =	vst v10;
	v42 =	vmul.u32 $0xFFFFFF38, v11  }
0x39: {  	v44 =	vmul.u32 $0x148, v37;
	[tilespmem:$0x290] =	vst v11;
	v10 =	vadd.s32 v28, v39  }
0x3a: {  	v11 =	vadd.s32 v31, v42;
	[tilespmem:$0x480] =	vst v10;
	v10 =	vshrl.u32 v41, $0x10  }
0x3b: {  	v46 =	vld [tilespmem:$0xE0];
	[tilespmem:$0x490] =	vst v11;
	v11 =	vshrl.u32 v44, $0x10;
	v45 =	vmul.u32 $0xFFFFFF38, v10  }
0x3c: {  	v49 =	vld [tilespmem:$0xF0];
	v47 =	vmul.u32 $0x148, v40;
	[tilespmem:$0x2A0] =	vst v10;
	v48 =	vmul.u32 $0xFFFFFF38, v11  }
0x3d: {  	v50 =	vmul.u32 $0x148, v43;
	[tilespmem:$0x2B0] =	vst v11;
	v10 =	vadd.s32 v34, v45  }
0x3e: {  	v11 =	vadd.s32 v37, v48;
	[tilespmem:$0x4A0] =	vst v10;
	v10 =	vshrl.u32 v47, $0x10  }
0x3f: {  	v52 =	vld [tilespmem:$0x100];
	[tilespmem:$0x4B0] =	vst v11;
	v11 =	vshrl.u32 v50, $0x10;
	v51 =	vmul.u32 $0xFFFFFF38, v10  }
0x40: {  	v19 =	vld [tilespmem:$0x1D0];
	v53 =	vmul.u32 $0x148, v46;
	[tilespmem:$0x2C0] =	vst v10;
	v54 =	vmul.u32 $0xFFFFFF38, v11  }
0x41: {  	v55 =	vld [tilespmem:$0x110];
	v56 =	vmul.u32 $0x148, v49;
	[tilespmem:$0x2D0] =	vst v11;
	v10 =	vadd.s32 v40, v51  }
0x42: {  	v11 =	vadd.s32 v43, v54;
	[tilespmem:$0x4C0] =	vst v10;
	v10 =	vshrl.u32 v53, $0x10  }
0x43: {  	v58 =	vld [tilespmem:$0x120];
	[tilespmem:$0x4D0] =	vst v11;
	v11 =	vshrl.u32 v56, $0x10;
	v57 =	vmul.u32 $0xFFFFFF38, v10  }
0x44: {  	v59 =	vmul.u32 $0x148, v52;
	[tilespmem:$0x2E0] =	vst v10;
	v60 =	vmul.u32 $0xFFFFFF38, v11  }
0x45: {  	v61 =	vld [tilespmem:$0x130];
	v54 =	vmul.u32 $0x148, v19;
	[tilespmem:$0x2F0] =	vst v11;
	v10 =	vadd.s32 v46, v57  }
0x46: {  	v62 =	vmul.u32 $0x148, v55;
	v11 =	vadd.s32 v49, v60;
	[tilespmem:$0x4E0] =	vst v10;
	v10 =	vshrl.u32 v59, $0x10  }
0x47: {  	v21 =	vld [tilespmem:$0x140];
	v57 =	vshrl.u32 v54, $0x10;
	[tilespmem:$0x4F0] =	vst v11;
	v63 =	vmul.u32 $0xFFFFFF38, v10  }
0x48: {  	v22 =	vmul.u32 $0x148, v58;
	v11 =	vshrl.u32 v62, $0x10;
	[tilespmem:$0x3D0] =	vst v57  }
0x49: {  	v24 =	vld [tilespmem:$0x150];
	[tilespmem:$0x300] =	vst v10;
	v23 =	vmul.u32 $0xFFFFFF38, v11;
	v10 =	vadd.s32 v52, v63  }
0x4a: {  	v25 =	vmul.u32 $0x148, v61;
	[tilespmem:$0x500] =	vst v10;
	v10 =	vshrl.u32 v22, $0x10  }
0x4b: {  	v27 =	vld [tilespmem:$0x160];
	[tilespmem:$0x310] =	vst v11;
	v11 =	vadd.s32 v55, v23;
	v26 =	vmul.u32 $0xFFFFFF38, v10  }
0x4c: {  	v28 =	vmul.u32 $0x148, v21;
	[tilespmem:$0x510] =	vst v11;
	v11 =	vshrl.u32 v25, $0x10  }
0x4d: {  	v30 =	vld [tilespmem:$0x170];
	[tilespmem:$0x320] =	vst v10;
	v29 =	vmul.u32 $0xFFFFFF38, v11;
	v10 =	vadd.s32 v58, v26  }
0x4e: {  	v31 =	vmul.u32 $0x148, v24;
	[tilespmem:$0x520] =	vst v10;
	v10 =	vshrl.u32 v28, $0x10  }
0x4f: {  	v33 =	vld [tilespmem:$0x180];
	[tilespmem:$0x330] =	vst v11;
	v11 =	vadd.s32 v61, v29;
	v32 =	vmul.u32 $0xFFFFFF38, v10  }
0x50: {  	v34 =	vmul.u32 $0x148, v27;
	[tilespmem:$0x530] =	vst v11;
	v11 =	vshrl.u32 v31, $0x10  }
0x51: {  	v36 =	vld [tilespmem:$0x190];
	[tilespmem:$0x340] =	vst v10;
	v35 =	vmul.u32 $0xFFFFFF38, v11;
	v10 =	vadd.s32 v21, v32  }
0x52: {  	v37 =	vmul.u32 $0x148, v30;
	[tilespmem:$0x540] =	vst v10;
	v10 =	vshrl.u32 v34, $0x10  }
0x53: {  	v39 =	vld [tilespmem:$0x1A0];
	[tilespmem:$0x350] =	vst v11;
	v11 =	vadd.s32 v24, v35;
	v38 =	vmul.u32 $0xFFFFFF38, v10  }
0x54: {  	v40 =	vmul.u32 $0x148, v33;
	[tilespmem:$0x550] =	vst v11;
	v11 =	vshrl.u32 v37, $0x10  }
0x55: {  	v42 =	vld [tilespmem:$0x1B0];
	[tilespmem:$0x360] =	vst v10;
	v41 =	vmul.u32 $0xFFFFFF38, v11;
	v10 =	vadd.s32 v27, v38  }
0x56: {  	v43 =	vmul.u32 $0x148, v36;
	[tilespmem:$0x560] =	vst v10;
	v10 =	vshrl.u32 v40, $0x10  }
0x57: {  	v45 =	vld [tilespmem:$0x1C0];
	[tilespmem:$0x370] =	vst v11;
	v11 =	vadd.s32 v30, v41;
	v44 =	vmul.u32 $0xFFFFFF38, v10  }
0x58: {  	v46 =	vmul.u32 $0x148, v39;
	[tilespmem:$0x570] =	vst v11;
	v11 =	vshrl.u32 v43, $0x10  }
0x59: {  	[tilespmem:$0x380] =	vst v10;
	v47 =	vmul.u32 $0xFFFFFF38, v11;
	v10 =	vadd.s32 v33, v44  }
0x5a: {  	v20 =	vld [tilespmem:$0x200];
	v48 =	vmul.u32 $0x148, v42;
	[tilespmem:$0x580] =	vst v10;
	v10 =	vshrl.u32 v46, $0x10  }
0x5b: {  	v50 =	vld [tilespmem:$0x1E0];
	[tilespmem:$0x390] =	vst v11;
	v11 =	vadd.s32 v36, v47;
	v49 =	vmul.u32 $0xFFFFFF38, v10  }
0x5c: {  	v51 =	vmul.u32 $0x148, v45;
	v52 =	vld [tilespmem:$0x1F0];
	[tilespmem:$0x590] =	vst v11;
	v11 =	vshrl.u32 v48, $0x10  }
0x5d: {  	v55 =	vld [tilespmem:$0x400];
	[tilespmem:$0x3A0] =	vst v10;
	v53 =	vmul.u32 $0xFFFFFF38, v11;
	v10 =	vadd.s32 v39, v49  }
0x5e: {  	[tilespmem:$0x5A0] =	vst v10;
	v10 =	vshrl.u32 v51, $0x10  }
0x5f: {  	[tilespmem:$0x3B0] =	vst v11;
	v11 =	vadd.s32 v42, v53;
	v56 =	vmul.u32 $0xFFFFFF38, v10  }
0x60: {  	v58 =	vmul.u32 $0x148, v50;
	[tilespmem:$0x5B0] =	vst v11;
	v11 =	vmul.u32 $0xFFFFFF38, v57  }
0x61: {  	vm0 =	veq.s32 v20, $0x0;
	v59 =	vmul.u32 $0x148, v52;
	[tilespmem:$0x3C0] =	vst v10;
	v10 =	vadd.s32 v45, v56  }
0x62: {  	v61 =	vshll.u32 v55, $0x7;
	[tilespmem:$0x5C0] =	vst v10;
	v10 =	vadd.s32 v19, v11;
	v11 =	vshrl.u32 v58, $0x10  }
0x63: {  	v62 =	vor.u32 v0, v61;
	v60 =	vmul.u32 $0xFFFFFF38, v11;
	[tilespmem:$0x5D0] =	vst v10;
	v10 =	vshrl.u32 v59, $0x10  }
0x64: {  	[tilespmem:$0x3E0] =	vst v11;
	v63 =	vmul.u32 $0xFFFFFF38, v10  }
0x65: {  	[tilespmem:$0x3F0] =	vst v10;
	v11 =	vadd.s32 v50, v60  }
0x66: {  	[tilespmem:$0x5E0] =	vst v11;
	v10 =	vadd.s32 v52, v63  }
0x67: {  	[tilespmem:$0x5F0] =	vst v10  }
0x68: {  	[tilespmem:v62+s10+$0x0] =	vst.idx.msk vm0, v2  }
0x69: {  	v10 =	vld [tilespmem:$0x210]  }
0x6a: {  	v11 =	vld [tilespmem:$0x410];
	_ =	sdelay $0x4  }
0x6b: {  	vm9 =	veq.s32 v10, $0x0;
	v10 =	vshll.u32 v11, $0x7  }
0x6c: {  	v10 =	vor.u32 v3, v10;
	_ =	sdelay $0x4  }
0x6d: {  	[tilespmem:v10+s10+$0x0] =	vst.idx.msk vm9, v2  }
0x6e: {  	v10 =	vld [tilespmem:$0x220]  }
0x6f: {  	v11 =	vld [tilespmem:$0x420];
	_ =	sdelay $0x4  }
0x70: {  	vm10 =	veq.s32 v10, $0x0;
	v10 =	vshll.u32 v11, $0x7  }
0x71: {  	v10 =	vor.u32 v4, v10;
	_ =	sdelay $0x4  }
0x72: {  	[tilespmem:v10+s10+$0x0] =	vst.idx.msk vm10, v2  }
0x73: {  	v10 =	vld [tilespmem:$0x230]  }
0x74: {  	v11 =	vld [tilespmem:$0x430];
	_ =	sdelay $0x4  }
0x75: {  	vm11 =	veq.s32 v10, $0x0;
	v10 =	vshll.u32 v11, $0x7  }
0x76: {  	v10 =	vor.u32 v5, v10;
	_ =	sdelay $0x4  }
0x77: {  	[tilespmem:v10+s10+$0x0] =	vst.idx.msk vm11, v2  }
0x78: {  	v10 =	vld [tilespmem:$0x240]  }
0x79: {  	v11 =	vld [tilespmem:$0x440];
	_ =	sdelay $0x4  }
0x7a: {  	vm12 =	veq.s32 v10, $0x0;
	v10 =	vshll.u32 v11, $0x7  }
0x7b: {  	v10 =	vor.u32 v6, v10;
	_ =	sdelay $0x4  }
0x7c: {  	[tilespmem:v10+s10+$0x0] =	vst.idx.msk vm12, v2  }
0x7d: {  	v10 =	vld [tilespmem:$0x250]  }
0x7e: {  	v11 =	vld [tilespmem:$0x450];
	_ =	sdelay $0x4  }
0x7f: {  	vm13 =	veq.s32 v10, $0x0;
	v10 =	vshll.u32 v11, $0x7  }
0x80: {  	v10 =	vor.u32 v7, v10;
	_ =	sdelay $0x4  }
0x81: {  	[tilespmem:v10+s10+$0x0] =	vst.idx.msk vm13, v2  }
0x82: {  	v10 =	vld [tilespmem:$0x260]  }
0x83: {  	v11 =	vld [tilespmem:$0x460];
	_ =	sdelay $0x4  }
0x84: {  	vm14 =	veq.s32 v10, $0x0;
	v10 =	vshll.u32 v11, $0x7  }
0x85: {  	v10 =	vor.u32 v8, v10;
	_ =	sdelay $0x4  }
0x86: {  	[tilespmem:v10+s10+$0x0] =	vst.idx.msk vm14, v2  }
0x87: {  	v10 =	vld [tilespmem:$0x270]  }
0x88: {  	v11 =	vld [tilespmem:$0x470];
	_ =	sdelay $0x4  }
0x89: {  	vm15 =	veq.s32 v10, $0x0;
	v10 =	vshll.u32 v11, $0x7  }
0x8a: {  	v10 =	vor.u32 v9, v10;
	_ =	sdelay $0x4  }
0x8b: {  	s17 =	simm.s32 $0x0;
	s18 =	simm.s32 $0x200;
	[tilespmem:v10+s10+$0x0] =	vst.idx.msk vm15, v2  }
0x8c: {  	[hbm4b:s4+s11] =	stream.strided.scatter [tilespmem:s10], [sflag:$0x1], $0x6400, s12, s11, $0x38;
	[tilespmem:$0xCE00] =	vst v63  }
.LBB2_4:
0x8d: {  	p0 =	sne.s32 s18, $0x18E00;
	[tilespmem:s17+$0x6A70] =	vst v1  }
0x8e: {  	[tilespmem:s17+$0x6A00] =	vst v1  }
0x8f: {  	[tilespmem:s17+$0x6A10] =	vst v1  }
.Ltmp1:
0x90: {  	[tilespmem:s17+$0x6A20] =	vst v1;
	(pc) =	sbr.rel @p0 .LBB2_4-.Ltmp1, $4  }
0x91: {  	[tilespmem:s17+$0x6A30] =	vst v1  }
0x92: {  	[tilespmem:s17+$0x6A40] =	vst v1  }
0x93: {  	[tilespmem:s17+$0x6A50] =	vst v1  }
0x94: {  	[tilespmem:s17+$0x6A60] =	vst v1;
	s17 =	sshra.s32 s18, $0x2;
	s18 =	sadd.s32 $0x200, s18  }
0x95: {  	[tilespmem:s17+$0x6A70] =	vst v1  }
0x96: {  	[tilespmem:s17+$0x6A00] =	vst v1  }
0x97: {  	[tilespmem:s17+$0x6A10] =	vst v1  }
0x98: {  	[tilespmem:s17+$0x6A20] =	vst v1  }
0x99: {  	[tilespmem:s17+$0x6A30] =	vst v1  }
0x9a: {  	[tilespmem:s17+$0x6A40] =	vst v1  }
0x9b: {  	[tilespmem:s17+$0x6A50] =	vst v1  }
0x9c: {  	[tilespmem:s17+$0x6A60] =	vst v1  }
0x9d: {  	v10 =	vld [tilespmem:$0x200]  }
0x9e: {  	v11 =	vld [tilespmem:$0x400];
	_ =	sdelay $0x4  }
0x9f: {  	vm0 =	veq.s32 v10, $0x1;
	v10 =	vshll.u32 v11, $0x7  }
0xa0: {  	v10 =	vor.u32 v0, v10;
	_ =	sdelay $0x4  }
0xa1: {  	[tilespmem:v10+s13+$0x0] =	vst.idx.msk vm0, v2  }
0xa2: {  	v10 =	vld [tilespmem:$0x210]  }
0xa3: {  	v11 =	vld [tilespmem:$0x410];
	_ =	sdelay $0x4  }
0xa4: {  	vm9 =	veq.s32 v10, $0x1;
	v10 =	vshll.u32 v11, $0x7  }
0xa5: {  	v10 =	vor.u32 v3, v10;
	_ =	sdelay $0x4  }
0xa6: {  	[tilespmem:v10+s13+$0x0] =	vst.idx.msk vm9, v2  }
0xa7: {  	v10 =	vld [tilespmem:$0x220]  }
0xa8: {  	v11 =	vld [tilespmem:$0x420];
	_ =	sdelay $0x4  }
0xa9: {  	vm10 =	veq.s32 v10, $0x1;
	v10 =	vshll.u32 v11, $0x7  }
0xaa: {  	v10 =	vor.u32 v4, v10;
	_ =	sdelay $0x4  }
0xab: {  	[tilespmem:v10+s13+$0x0] =	vst.idx.msk vm10, v2  }
0xac: {  	v10 =	vld [tilespmem:$0x230]  }
0xad: {  	v11 =	vld [tilespmem:$0x430];
	_ =	sdelay $0x4  }
0xae: {  	vm11 =	veq.s32 v10, $0x1;
	v10 =	vshll.u32 v11, $0x7  }
0xaf: {  	v10 =	vor.u32 v5, v10;
	_ =	sdelay $0x4  }
0xb0: {  	[tilespmem:v10+s13+$0x0] =	vst.idx.msk vm11, v2  }
0xb1: {  	v10 =	vld [tilespmem:$0x240]  }
0xb2: {  	v11 =	vld [tilespmem:$0x440];
	_ =	sdelay $0x4  }
0xb3: {  	vm12 =	veq.s32 v10, $0x1;
	v10 =	vshll.u32 v11, $0x7  }
0xb4: {  	v10 =	vor.u32 v6, v10;
	_ =	sdelay $0x4  }
0xb5: {  	[tilespmem:v10+s13+$0x0] =	vst.idx.msk vm12, v2  }
0xb6: {  	v10 =	vld [tilespmem:$0x250]  }
0xb7: {  	v11 =	vld [tilespmem:$0x450];
	_ =	sdelay $0x4  }
0xb8: {  	vm13 =	veq.s32 v10, $0x1;
	v10 =	vshll.u32 v11, $0x7  }
0xb9: {  	v10 =	vor.u32 v7, v10;
	_ =	sdelay $0x4  }
0xba: {  	[tilespmem:v10+s13+$0x0] =	vst.idx.msk vm13, v2  }
0xbb: {  	v10 =	vld [tilespmem:$0x260]  }
0xbc: {  	v11 =	vld [tilespmem:$0x460];
	_ =	sdelay $0x4  }
0xbd: {  	vm14 =	veq.s32 v10, $0x1;
	v10 =	vshll.u32 v11, $0x7  }
0xbe: {  	v10 =	vor.u32 v8, v10;
	_ =	sdelay $0x4  }
0xbf: {  	[tilespmem:v10+s13+$0x0] =	vst.idx.msk vm14, v2  }
0xc0: {  	v10 =	vld [tilespmem:$0x270]  }
0xc1: {  	v11 =	vld [tilespmem:$0x470];
	_ =	sdelay $0x4  }
0xc2: {  	vm15 =	veq.s32 v10, $0x1;
	v10 =	vshll.u32 v11, $0x7  }
0xc3: {  	v10 =	vor.u32 v9, v10;
	_ =	sdelay $0x4  }
0xc4: {  	s17 =	simm.s32 $0x0;
	[tilespmem:v10+s13+$0x0] =	vst.idx.msk vm15, v2  }
0xc5: {  	[hbm4b:s6+s11] =	stream.strided.scatter [tilespmem:s13], [sflag:$0x2], $0x6400, s12, s11, $0x38;
	[tilespmem:$0xCE00] =	vst v63  }
.LBB2_6:
0xc6: {  	s18 =	sshll.u32 s17, $0x1  }
0xc7: {  	s19 =	sand.u32 $0xFE, s18  }
0xc8: {  	s19 =	smul.u32 $0xCD, s19  }
0xc9: {  	_ =	swait.ge [sflag:s14], $0x6400  }
0xca: {  	[sflag:s14] =	ssyncset.done $0x0;
	s19 =	sshrl.u32 s19, $0xA  }
0xcb: {  	[sflag:s14] =	ssyncadd.s32 $0xFFFF9C00;
	s20 =	sshll.u32 s19, $0x7  }
0xcc: {  	v10 =	vld [tilespmem:s20+$0x200]  }
0xcd: {  	v11 =	vld [tilespmem:s20+$0x400]  }
0xce: {  	s19 =	smul.u32 $0x5, s19;
	_ =	sdelay $0x1  }
0xcf: {  	s19 =	ssub.s32 s18, s19  }
0xd0: {  	s19 =	sand.u32 $0xFF, s19  }
0xd1: {  	vm0 =	veq.s32 v10, s19;
	v10 =	vshll.u32 v11, $0x7  }
0xd2: {  	v10 =	vor.u32 v0, v10;
	_ =	sdelay $0x4  }
0xd3: {  	[tilespmem:v10+s10+$0x0] =	vst.idx.msk vm0, v1  }
0xd4: {  	v10 =	vld [tilespmem:s20+$0x210]  }
0xd5: {  	v11 =	vld [tilespmem:s20+$0x410];
	_ =	sdelay $0x4  }
0xd6: {  	vm9 =	veq.s32 v10, s19;
	v10 =	vshll.u32 v11, $0x7  }
0xd7: {  	v10 =	vor.u32 v3, v10;
	_ =	sdelay $0x4  }
0xd8: {  	[tilespmem:v10+s10+$0x0] =	vst.idx.msk vm9, v1  }
0xd9: {  	v10 =	vld [tilespmem:s20+$0x220]  }
0xda: {  	v11 =	vld [tilespmem:s20+$0x420];
	_ =	sdelay $0x4  }
0xdb: {  	vm10 =	veq.s32 v10, s19;
	v10 =	vshll.u32 v11, $0x7  }
0xdc: {  	v10 =	vor.u32 v4, v10;
	_ =	sdelay $0x4  }
0xdd: {  	[tilespmem:v10+s10+$0x0] =	vst.idx.msk vm10, v1  }
0xde: {  	v10 =	vld [tilespmem:s20+$0x230]  }
0xdf: {  	v11 =	vld [tilespmem:s20+$0x430];
	_ =	sdelay $0x4  }
0xe0: {  	vm11 =	veq.s32 v10, s19;
	v10 =	vshll.u32 v11, $0x7  }
0xe1: {  	v10 =	vor.u32 v5, v10;
	_ =	sdelay $0x4  }
0xe2: {  	[tilespmem:v10+s10+$0x0] =	vst.idx.msk vm11, v1  }
0xe3: {  	v10 =	vld [tilespmem:s20+$0x240]  }
0xe4: {  	v11 =	vld [tilespmem:s20+$0x440];
	_ =	sdelay $0x4  }
0xe5: {  	vm12 =	veq.s32 v10, s19;
	v10 =	vshll.u32 v11, $0x7  }
0xe6: {  	v10 =	vor.u32 v6, v10;
	_ =	sdelay $0x4  }
0xe7: {  	[tilespmem:v10+s10+$0x0] =	vst.idx.msk vm12, v1  }
0xe8: {  	v10 =	vld [tilespmem:s20+$0x250]  }
0xe9: {  	v11 =	vld [tilespmem:s20+$0x450];
	_ =	sdelay $0x4  }
0xea: {  	vm13 =	veq.s32 v10, s19;
	v10 =	vshll.u32 v11, $0x7  }
0xeb: {  	v10 =	vor.u32 v7, v10;
	_ =	sdelay $0x4  }
0xec: {  	[tilespmem:v10+s10+$0x0] =	vst.idx.msk vm13, v1  }
0xed: {  	v10 =	vld [tilespmem:s20+$0x260]  }
0xee: {  	v11 =	vld [tilespmem:s20+$0x460];
	_ =	sdelay $0x4  }
0xef: {  	vm14 =	veq.s32 v10, s19;
	v10 =	vshll.u32 v11, $0x7  }
0xf0: {  	v10 =	vor.u32 v8, v10;
	_ =	sdelay $0x4  }
0xf1: {  	[tilespmem:v10+s10+$0x0] =	vst.idx.msk vm14, v1  }
0xf2: {  	v10 =	vld [tilespmem:s20+$0x270]  }
0xf3: {  	v11 =	vld [tilespmem:s20+$0x470];
	_ =	sdelay $0x4  }
0xf4: {  	vm15 =	veq.s32 v10, s19;
	v10 =	vshll.u32 v11, $0x7  }
0xf5: {  	s23 =	sadd.s32 $0x2, s18;
	v10 =	vor.u32 v9, v10  }
0xf6: {  	s24 =	sand.u32 $0xFE, s23  }
0xf7: {  	s20 =	smul.u32 $0xCD, s24;
	_ =	sdelay $0x1  }
0xf8: {  	s20 =	sshrl.u32 s20, $0xA  }
0xf9: {  	s21 =	sshll.u32 s20, $0x7;
	[tilespmem:v10+s10+$0x0] =	vst.idx.msk vm15, v1  }
0xfa: {  	v10 =	vld [tilespmem:s21+$0x200]  }
0xfb: {  	v11 =	vld [tilespmem:s21+$0x400]  }
0xfc: {  	s22 =	smul.u32 $0x5, s20;
	_ =	sdelay $0x1  }
0xfd: {  	s19 =	ssub.s32 s23, s22  }
0xfe: {  	s19 =	sand.u32 $0xFF, s19  }
0xff: {  	vm4 =	veq.s32 v10, s19;
	v10 =	vshll.u32 v11, $0x7  }
0x100: {  	v10 =	vor.u32 v0, v10;
	_ =	sdelay $0x4  }
0x101: {  	[tilespmem:v10+s10+$0x0] =	vst.idx.msk vm4, v2  }
0x102: {  	v10 =	vld [tilespmem:s21+$0x210]  }
0x103: {  	v11 =	vld [tilespmem:s21+$0x410];
	_ =	sdelay $0x4  }
0x104: {  	vm5 =	veq.s32 v10, s19;
	v10 =	vshll.u32 v11, $0x7  }
0x105: {  	v10 =	vor.u32 v3, v10;
	_ =	sdelay $0x4  }
0x106: {  	[tilespmem:v10+s10+$0x0] =	vst.idx.msk vm5, v2  }
0x107: {  	v10 =	vld [tilespmem:s21+$0x220]  }
0x108: {  	v11 =	vld [tilespmem:s21+$0x420];
	_ =	sdelay $0x4  }
0x109: {  	vm6 =	veq.s32 v10, s19;
	v10 =	vshll.u32 v11, $0x7  }
0x10a: {  	v10 =	vor.u32 v4, v10;
	_ =	sdelay $0x4  }
0x10b: {  	[tilespmem:v10+s10+$0x0] =	vst.idx.msk vm6, v2  }
0x10c: {  	v10 =	vld [tilespmem:s21+$0x230]  }
0x10d: {  	v11 =	vld [tilespmem:s21+$0x430];
	_ =	sdelay $0x4  }
0x10e: {  	vm7 =	veq.s32 v10, s19;
	v10 =	vshll.u32 v11, $0x7  }
0x10f: {  	v10 =	vor.u32 v5, v10;
	_ =	sdelay $0x4  }
0x110: {  	[tilespmem:v10+s10+$0x0] =	vst.idx.msk vm7, v2  }
0x111: {  	v10 =	vld [tilespmem:s21+$0x240]  }
0x112: {  	v11 =	vld [tilespmem:s21+$0x440];
	_ =	sdelay $0x4  }
0x113: {  	vm8 =	veq.s32 v10, s19;
	v10 =	vshll.u32 v11, $0x7  }
0x114: {  	v10 =	vor.u32 v6, v10;
	_ =	sdelay $0x4  }
0x115: {  	[tilespmem:v10+s10+$0x0] =	vst.idx.msk vm8, v2  }
0x116: {  	v10 =	vld [tilespmem:s21+$0x250]  }
0x117: {  	v11 =	vld [tilespmem:s21+$0x450];
	_ =	sdelay $0x4  }
0x118: {  	vm9 =	veq.s32 v10, s19;
	v10 =	vshll.u32 v11, $0x7  }
0x119: {  	v10 =	vor.u32 v7, v10;
	_ =	sdelay $0x4  }
0x11a: {  	[tilespmem:v10+s10+$0x0] =	vst.idx.msk vm9, v2  }
0x11b: {  	v10 =	vld [tilespmem:s21+$0x260]  }
0x11c: {  	v11 =	vld [tilespmem:s21+$0x460];
	_ =	sdelay $0x4  }
0x11d: {  	vm10 =	veq.s32 v10, s19;
	v10 =	vshll.u32 v11, $0x7  }
0x11e: {  	v10 =	vor.u32 v8, v10;
	_ =	sdelay $0x4  }
0x11f: {  	[tilespmem:v10+s10+$0x0] =	vst.idx.msk vm10, v2  }
0x120: {  	v10 =	vld [tilespmem:s21+$0x270]  }
0x121: {  	v11 =	vld [tilespmem:s21+$0x470];
	_ =	sdelay $0x4  }
0x122: {  	vm11 =	veq.s32 v10, s19;
	v10 =	vshll.u32 v11, $0x7  }
0x123: {  	v10 =	vor.u32 v9, v10  }
0x124: {  	s20 =	sadd.s32 s20, s7;
	s19 =	smul.u32 $0x320000, s19  }
0x125: {  	s20 =	sshll.u32 s20, $0xA  }
0x126: {  	s25 =	sshllo.u32 s17, $0x1;
	s19 =	sadd.s32 s19, s20  }
0x127: {  	s26 =	sand.u32 $0xFF, s25;
	s19 =	sshrl.u32 s19, $0x3  }
0x128: {  	s20 =	smul.u32 $0xCD, s26;
	s19 =	sadd.s32 s1, s19;
	[tilespmem:v10+s10+$0x0] =	vst.idx.msk vm11, v2  }
0x129: {  	[hbm4b:s19+s11] =	stream.strided.scatter [tilespmem:s10], [sflag:$0x1], $0x6400, s12, s11, $0x38;
	[tilespmem:$0xCE00] =	vst v63  }
0x12a: {  	_ =	swait.ge [sflag:s15], $0x6400  }
0x12b: {  	s20 =	sshrl.u32 s20, $0xA;
	[sflag:s15] =	ssyncset.done $0x0  }
0x12c: {  	s28 =	sshll.u32 s20, $0x7;
	[sflag:s15] =	ssyncadd.s32 $0xFFFF9C00  }
0x12d: {  	v10 =	vld [tilespmem:s28+$0x200]  }
0x12e: {  	v11 =	vld [tilespmem:s28+$0x400]  }
0x12f: {  	s20 =	smul.u32 $0x5, s20;
	_ =	sdelay $0x1  }
0x130: {  	s19 =	ssub.s32 s25, s20  }
0x131: {  	s19 =	sand.u32 $0xFF, s19  }
0x132: {  	vm12 =	veq.s32 v10, s19;
	v10 =	vshll.u32 v11, $0x7  }
0x133: {  	v10 =	vor.u32 v0, v10;
	_ =	sdelay $0x4  }
0x134: {  	[tilespmem:v10+s13+$0x0] =	vst.idx.msk vm12, v1  }
0x135: {  	v10 =	vld [tilespmem:s28+$0x210]  }
0x136: {  	v11 =	vld [tilespmem:s28+$0x410];
	_ =	sdelay $0x4  }
0x137: {  	vm13 =	veq.s32 v10, s19;
	v10 =	vshll.u32 v11, $0x7  }
0x138: {  	v10 =	vor.u32 v3, v10;
	_ =	sdelay $0x4  }
0x139: {  	[tilespmem:v10+s13+$0x0] =	vst.idx.msk vm13, v1  }
0x13a: {  	v10 =	vld [tilespmem:s28+$0x220]  }
0x13b: {  	v11 =	vld [tilespmem:s28+$0x420];
	_ =	sdelay $0x4  }
0x13c: {  	vm14 =	veq.s32 v10, s19;
	v10 =	vshll.u32 v11, $0x7  }
0x13d: {  	v10 =	vor.u32 v4, v10;
	_ =	sdelay $0x4  }
0x13e: {  	[tilespmem:v10+s13+$0x0] =	vst.idx.msk vm14, v1  }
0x13f: {  	v10 =	vld [tilespmem:s28+$0x230]  }
0x140: {  	v11 =	vld [tilespmem:s28+$0x430];
	_ =	sdelay $0x4  }
0x141: {  	vm15 =	veq.s32 v10, s19;
	v10 =	vshll.u32 v11, $0x7  }
0x142: {  	v10 =	vor.u32 v5, v10;
	_ =	sdelay $0x4  }
0x143: {  	[tilespmem:v10+s13+$0x0] =	vst.idx.msk vm15, v1  }
0x144: {  	v10 =	vld [tilespmem:s28+$0x240]  }
0x145: {  	v11 =	vld [tilespmem:s28+$0x440];
	_ =	sdelay $0x4  }
0x146: {  	vm4 =	veq.s32 v10, s19;
	v10 =	vshll.u32 v11, $0x7  }
0x147: {  	v10 =	vor.u32 v6, v10;
	_ =	sdelay $0x4  }
0x148: {  	[tilespmem:v10+s13+$0x0] =	vst.idx.msk vm4, v1  }
0x149: {  	v10 =	vld [tilespmem:s28+$0x250]  }
0x14a: {  	v11 =	vld [tilespmem:s28+$0x450];
	_ =	sdelay $0x4  }
0x14b: {  	vm5 =	veq.s32 v10, s19;
	v10 =	vshll.u32 v11, $0x7  }
0x14c: {  	v10 =	vor.u32 v7, v10;
	_ =	sdelay $0x4  }
0x14d: {  	[tilespmem:v10+s13+$0x0] =	vst.idx.msk vm5, v1  }
0x14e: {  	v10 =	vld [tilespmem:s28+$0x260]  }
0x14f: {  	v11 =	vld [tilespmem:s28+$0x460];
	_ =	sdelay $0x4  }
0x150: {  	vm6 =	veq.s32 v10, s19;
	v10 =	vshll.u32 v11, $0x7  }
0x151: {  	v10 =	vor.u32 v8, v10;
	_ =	sdelay $0x4  }
0x152: {  	[tilespmem:v10+s13+$0x0] =	vst.idx.msk vm6, v1  }
0x153: {  	v10 =	vld [tilespmem:s28+$0x270]  }
0x154: {  	v11 =	vld [tilespmem:s28+$0x470];
	_ =	sdelay $0x4  }
0x155: {  	vm7 =	veq.s32 v10, s19;
	v10 =	vshll.u32 v11, $0x7  }
0x156: {  	s18 =	sadd.s32 $0x3, s18;
	v10 =	vor.u32 v9, v10  }
0x157: {  	s29 =	sand.u32 $0xFF, s18  }
0x158: {  	s19 =	smul.u32 $0xCD, s29;
	_ =	sdelay $0x1  }
0x159: {  	s19 =	sshrl.u32 s19, $0xA  }
0x15a: {  	s30 =	sshll.u32 s19, $0x7;
	[tilespmem:v10+s13+$0x0] =	vst.idx.msk vm7, v1  }
0x15b: {  	v10 =	vld [tilespmem:s30+$0x200]  }
0x15c: {  	v11 =	vld [tilespmem:s30+$0x400]  }
0x15d: {  	s31 =	smul.u32 $0x5, s19;
	_ =	sdelay $0x1  }
0x15e: {  	s18 =	ssub.s32 s18, s31  }
0x15f: {  	s18 =	sand.u32 $0xFF, s18  }
0x160: {  	vm8 =	veq.s32 v10, s18;
	v10 =	vshll.u32 v11, $0x7  }
0x161: {  	v10 =	vor.u32 v0, v10;
	_ =	sdelay $0x4  }
0x162: {  	[tilespmem:v10+s13+$0x0] =	vst.idx.msk vm8, v2  }
0x163: {  	v10 =	vld [tilespmem:s30+$0x210]  }
0x164: {  	v11 =	vld [tilespmem:s30+$0x410];
	_ =	sdelay $0x4  }
0x165: {  	vm9 =	veq.s32 v10, s18;
	v10 =	vshll.u32 v11, $0x7  }
0x166: {  	v10 =	vor.u32 v3, v10;
	_ =	sdelay $0x4  }
0x167: {  	[tilespmem:v10+s13+$0x0] =	vst.idx.msk vm9, v2  }
0x168: {  	v10 =	vld [tilespmem:s30+$0x220]  }
0x169: {  	v11 =	vld [tilespmem:s30+$0x420];
	_ =	sdelay $0x4  }
0x16a: {  	vm10 =	veq.s32 v10, s18;
	v10 =	vshll.u32 v11, $0x7  }
0x16b: {  	v10 =	vor.u32 v4, v10;
	_ =	sdelay $0x4  }
0x16c: {  	[tilespmem:v10+s13+$0x0] =	vst.idx.msk vm10, v2  }
0x16d: {  	v10 =	vld [tilespmem:s30+$0x230]  }
0x16e: {  	v11 =	vld [tilespmem:s30+$0x430];
	_ =	sdelay $0x4  }
0x16f: {  	vm11 =	veq.s32 v10, s18;
	v10 =	vshll.u32 v11, $0x7  }
0x170: {  	v10 =	vor.u32 v5, v10;
	_ =	sdelay $0x4  }
0x171: {  	[tilespmem:v10+s13+$0x0] =	vst.idx.msk vm11, v2  }
0x172: {  	v10 =	vld [tilespmem:s30+$0x240]  }
0x173: {  	v11 =	vld [tilespmem:s30+$0x440];
	_ =	sdelay $0x4  }
0x174: {  	vm12 =	veq.s32 v10, s18;
	v10 =	vshll.u32 v11, $0x7  }
0x175: {  	v10 =	vor.u32 v6, v10;
	_ =	sdelay $0x4  }
0x176: {  	[tilespmem:v10+s13+$0x0] =	vst.idx.msk vm12, v2  }
0x177: {  	v10 =	vld [tilespmem:s30+$0x250]  }
0x178: {  	v11 =	vld [tilespmem:s30+$0x450];
	_ =	sdelay $0x4  }
0x179: {  	vm13 =	veq.s32 v10, s18;
	v10 =	vshll.u32 v11, $0x7  }
0x17a: {  	v10 =	vor.u32 v7, v10;
	_ =	sdelay $0x4  }
0x17b: {  	[tilespmem:v10+s13+$0x0] =	vst.idx.msk vm13, v2  }
0x17c: {  	v10 =	vld [tilespmem:s30+$0x260]  }
0x17d: {  	v11 =	vld [tilespmem:s30+$0x460];
	_ =	sdelay $0x4  }
0x17e: {  	vm14 =	veq.s32 v10, s18;
	v10 =	vshll.u32 v11, $0x7  }
0x17f: {  	v10 =	vor.u32 v8, v10;
	_ =	sdelay $0x4  }
0x180: {  	[tilespmem:v10+s13+$0x0] =	vst.idx.msk vm14, v2  }
0x181: {  	v10 =	vld [tilespmem:s30+$0x270]  }
0x182: {  	v11 =	vld [tilespmem:s30+$0x470];
	_ =	sdelay $0x4  }
0x183: {  	vm15 =	veq.s32 v10, s18;
	v10 =	vshll.u32 v11, $0x7  }
0x184: {  	v10 =	vor.u32 v9, v10  }
0x185: {  	p0 =	sne.s32 s17, $0x8;
	s19 =	sadd.s32 s19, s7;
	s18 =	smul.u32 $0x320000, s18  }
.Ltmp2:
0x186: {  	s19 =	sshll.u32 s19, $0xA;
	(pc) =	sbr.rel @p0 .LBB2_6-.Ltmp2, $4  }
0x187: {  	s18 =	sadd.s32 s18, s19  }
0x188: {  	s18 =	sshrl.u32 s18, $0x3  }
0x189: {  	s17 =	sadd.s32 $0x1, s17;
	s18 =	sadd.s32 s1, s18;
	[tilespmem:v10+s13+$0x0] =	vst.idx.msk vm15, v2  }
0x18a: {  	[hbm4b:s18+s11] =	stream.strided.scatter [tilespmem:s13], [sflag:$0x2], $0x6400, s12, s11, $0x38;
	[tilespmem:$0xCE00] =	vst v63  }
0x18b: {  	s16 =	sadd.s32 $0x1, s16  }
0x18c: {  	_ =	swait.ge [sflag:s14], $0x6400;
	p0 =	sne.s32 s16, s8  }
.Ltmp3:
0x18d: {  	[sflag:s14] =	ssyncset.done $0x0;
	(pc) =	sbr.rel @p0 .LBB2_1-.Ltmp3, $4  }
0x18e: {  	[sflag:s14] =	ssyncadd.s32 $0xFFFF9C00  }
0x18f: {  	_ =	swait.ge [sflag:s15], $0x6400  }
0x190: {  	[sflag:s15] =	ssyncset.done $0x0  }
0x191: {  	[sflag:s15] =	ssyncadd.s32 $0xFFFF9C00  }
0x192: {  	_ =	sfence.sel $0x180000  }
0x193: {  	[bflag:$0x0] =	sbarrier.arrive $0xFFFF  }
0x194: {  	p0 =	sne.s32 s2, $0x0;
	_ =	strace $0x90000047  }
0x195: {  	s0 =	sadd.s32 @!p0 $0x100000, s0;
	[bflag:$0x2] =	sbarrier.arrive $0xFFFF  }
0x196: {  	[sflag:s0] =	ssyncadd.tile.s32 @!p0 $0x1;
	_ =	shalt  }
.Lfunc_end2:
_tile_overlayer_lowered:
.L_overlay_start_2:
0x197: {  	(tag) =	ssettag $0x2  }
0x198: {  	s0 =	rddreg [dreg:$0x0];
	s2 =	stileid.u32  }
0x199: {  	s1 =	rddreg [dreg:$0x1];
	p0 =	sne.s32 s2, $0x0  }
0x19a: {  	s3 =	rddreg [dreg:$0x2];
	[bflag:$0x3] =	sbarrier.arrive $0xFFFF;
	s2 =	simm.s32 @!p0 $0x1C04  }
0x19b: {  	[timem:s3], [sflag:s2] =	dma.local @!p0 [hbm:s0], s1  }
0x19c: {  	s0 =	simm.s32 @!p0 $0x4  }
0x19d: {  	_ =	swait.ge @!p0 [sflag:s0], s1  }
0x19e: {  	s1 =	ssub.s32 @!p0 $0x0, s1;
	[sflag:s0] =	ssyncset.done @!p0 $0x0  }
0x19f: {  	[sflag:s0] =	ssyncadd.s32 @!p0 s1  }
0x1a0: {  	[bflag:$0x3] =	sbarrier.arrive $0xFFFF  }
0x1a1: {  	_ =	shalt  }

</sc_bundles>
